<compile_context>
chip_gen: v7x
topology: tpu7x:2x2x1
jax: 0.10.2.dev20260603
libtpu: 0.0.44.dev20260713+nightly
codegen_flags: <defaults>
</compile_context>

<pallas_src>
import functools

import jax
import jax.numpy as jnp
from jax import lax
from jax.experimental import pallas as pl
from jax.experimental.pallas import tpu as pltpu

_TOP_RATIO = 0.3
_TOP_WEIGHT = 1.0
_IGNORE_INDEX = -1

_VB = 2000
_CH = 500
_NW = 1


def _lse_body(nb, gt_ref, pred_ref, loss_ref, skey_ref, m_s, s_s, g_s):
    j = pl.program_id(0)
    gt_row = gt_ref[...]
    vb, n = pred_ref.shape
    nch = vb // _CH

    @pl.when(j == 0)
    def _():
        m_s[...] = jnp.full((1, n), -jnp.inf, jnp.float32)
        s_s[...] = jnp.zeros((1, n), jnp.float32)
        g_s[...] = jnp.zeros((1, n), jnp.float32)

    bm = jnp.max(pred_ref[pl.ds(0, _CH), :], axis=0, keepdims=True)
    for ch in range(1, nch):
        x = pred_ref[pl.ds(ch * _CH, _CH), :]
        bm = jnp.maximum(bm, jnp.max(x, axis=0, keepdims=True))

    target = gt_row - j * vb
    bs = jnp.zeros((1, n), jnp.float32)
    bg = jnp.zeros((1, n), jnp.float32)
    for ch in range(nch):
        x = pred_ref[pl.ds(ch * _CH, _CH), :]
        bs = bs + jnp.sum(jnp.exp(x - bm), axis=0, keepdims=True)
        rows = lax.broadcasted_iota(jnp.int32, (_CH, n), 0) + ch * _CH
        bg = bg + jnp.sum(jnp.where(rows == target, x, jnp.float32(0.0)),
                          axis=0, keepdims=True)

    m_old = m_s[...]
    m_new = jnp.maximum(m_old, bm)
    s_new = s_s[...] * jnp.exp(m_old - m_new) + bs * jnp.exp(bm - m_new)
    g_new = g_s[...] + bg
    m_s[...] = m_new
    s_s[...] = s_new
    g_s[...] = g_new

    @pl.when(j == nb - 1)
    def _():
        lse = m_new + jnp.log(s_new)
        nll = lse - g_new
        valid = gt_row != _IGNORE_INDEX
        loss = jnp.where(valid, nll, jnp.float32(0.0))
        loss_ref[...] = loss.reshape(loss_ref.shape)
        bb = lax.bitcast_convert_type(loss, jnp.int32)
        skey = bb ^ (lax.shift_right_arithmetic(bb, 31) & jnp.int32(0x7FFFFFFF))
        skey_ref[...] = skey.reshape(skey_ref.shape)


def _loss_row(pred_t, gt_row):
    c, n = pred_t.shape
    nb = c // _VB
    return pl.pallas_call(
        functools.partial(_lse_body, nb),
        grid=(nb,),
        in_specs=[
            pl.BlockSpec((1, n), lambda j: (0, 0)),
            pl.BlockSpec((_VB, n), lambda j: (j, 0)),
        ],
        out_specs=[
            pl.BlockSpec((n,), lambda j: (0,)),
            pl.BlockSpec((n,), lambda j: (0,)),
        ],
        out_shape=[
            jax.ShapeDtypeStruct((n,), jnp.float32),
            jax.ShapeDtypeStruct((n,), jnp.int32),
        ],
        scratch_shapes=[
            pltpu.VMEM((1, n), jnp.float32),
            pltpu.VMEM((1, n), jnp.float32),
            pltpu.VMEM((1, n), jnp.float32),
        ],
    )(gt_row, pred_t)


def _lane_rot(x, sh):
    idx = ((lax.iota(jnp.int32, 16) + sh) & 15).reshape(16, 1)
    return lax.gather(
        x, idx,
        lax.GatherDimensionNumbers(
            offset_dims=(), collapsed_slice_dims=(0,), start_index_map=(0,)),
        slice_sizes=(1,),
        mode=lax.GatherScatterMode.PROMISE_IN_BOUNDS,
    )


def _lane_fold(x, op):
    for sh in (8, 4, 2, 1):
        x = op(x, _lane_rot(x, sh))
    return x


def _sc_topk(loss, skey, n, k):
    from jax.experimental.pallas import tpu_sc as plsc

    lanes = 16
    ng = n // lanes
    mesh = plsc.VectorSubcoreMesh(core_axis_name="c", subcore_axis_name="s")

    @functools.partial(
        pl.kernel,
        mesh=mesh,
        out_type=jax.ShapeDtypeStruct((lanes,), jnp.float32),
        scratch_types=[
            pltpu.VMEM((n,), jnp.float32),
            pltpu.VMEM((n,), jnp.int32),
        ],
    )
    def topk_k(loss_hbm, skey_hbm, out_hbm, loss_v, skey_v):
        wid = lax.axis_index("s") * 2 + lax.axis_index("c")

        @pl.when(wid == 0)
        def _():
            pltpu.sync_copy(loss_hbm, loss_v)
            pltpu.sync_copy(skey_hbm, skey_v)
            int_min = jnp.full((lanes,), -2147483648, jnp.int32)
            kvec = jnp.full((lanes,), k, jnp.int32)
            ione = jnp.full((lanes,), 1, jnp.int32)
            izero = jnp.zeros((lanes,), jnp.int32)

            unroll = 8
            nit = ng // unroll

            def tot_step(i, tot):
                base = i * (lanes * unroll)
                for u in range(unroll):
                    tot = tot + loss_v[pl.ds(base + u * lanes, lanes)]
                return tot

            tot = lax.fori_loop(0, nit, tot_step, jnp.zeros((lanes,), jnp.float32))
            total = _lane_fold(tot, jnp.add)

            def bit_step(t, p):
                one = jnp.full((lanes,), 1, jnp.int32)
                shift = jnp.full((lanes,), 31, jnp.int32) - t
                cand = p | lax.shift_left(one, shift)
                thresh = cand ^ int_min

                def cnt_step(i, cnt):
                    base = i * (lanes * unroll)
                    for u in range(unroll):
                        sk = skey_v[pl.ds(base + u * lanes, lanes)]
                        cnt = cnt + jnp.where(sk >= thresh, ione, izero)
                    return cnt

                cnt = lax.fori_loop(0, nit, cnt_step,
                                    jnp.zeros((lanes,), jnp.int32))
                cnt = _lane_fold(cnt, jnp.add)
                return jnp.where(cnt >= kvec, cand, p)

            p = lax.fori_loop(0, 32, bit_step, jnp.zeros((lanes,), jnp.int32))
            skey_th = p ^ int_min

            def tail_step(i, carry):
                cnt_gt, sum_gt, f_th_acc = carry
                base = i * (lanes * unroll)
                for u in range(unroll):
                    sk = skey_v[pl.ds(base + u * lanes, lanes)]
                    v = loss_v[pl.ds(base + u * lanes, lanes)]
                    over = sk > skey_th
                    cnt_gt = cnt_gt + jnp.where(over, ione, izero)
                    sum_gt = sum_gt + jnp.where(over, v, jnp.float32(0.0))
                    f_th_acc = jnp.maximum(
                        f_th_acc, jnp.where(sk == skey_th, v, -jnp.inf))
                return cnt_gt, sum_gt, f_th_acc

            cnt_gt, sum_gt, f_th_acc = lax.fori_loop(
                0, nit, tail_step,
                (jnp.zeros((lanes,), jnp.int32),
                 jnp.zeros((lanes,), jnp.float32),
                 jnp.full((lanes,), -jnp.inf, jnp.float32)))
            f_th = _lane_fold(f_th_acc, jnp.maximum)
            cnt_gt = _lane_fold(cnt_gt, jnp.add)
            topk_sum = (_lane_fold(sum_gt, jnp.add)
                        + (kvec - cnt_gt).astype(jnp.float32) * f_th)

            out = (total / jnp.float32(n)
                   + jnp.float32(_TOP_WEIGHT) * topk_sum / jnp.float32(k))
            loss_v[pl.ds(0, lanes)] = out
            pltpu.sync_copy(loss_v.at[pl.ds(0, lanes)], out_hbm)

    return topk_k(loss, skey)


def kernel(pred, gt):
    n, c = pred.shape
    k = max(int(_TOP_RATIO * n), 1)
    gt_row = gt.reshape(1, n)
    loss, skey = _loss_row(pred.T, gt_row)
    out = _sc_topk(loss, skey, n, k)
    return out[0]

# --- scband reference (transcript-rebuilt; emitter-appended) ---
"""Pipeline reference for scband-ce-ohem-30270929502285 (READ-ONLY COPY).

The authoritative reference and input builder live on the scoring server;
editing this copy changes nothing except your own understanding.
"""

import jax, jax.numpy as jnp
import numpy as np

TOP_RATIO = 0.3
TOP_WEIGHT = 1.0
IGNORE_INDEX = -1


def setup_inputs(seed: int = 0) -> dict:
    key = jax.random.key(seed)
    k1, k2 = jax.random.split(key)
    pred = jax.random.normal(k1, (1024, 100000), dtype=jnp.float32)
    gt = jax.random.randint(k2, (1024,), 0, 100000, dtype=jnp.int32)
    return {"pred": pred, "gt": gt}


def reference(pred, gt):
    # CrossEntropyLoss(reduce=False, ignore_index=-1): per-sample NLL of log_softmax
    logp = jax.nn.log_softmax(pred, axis=1)
    idx = jnp.clip(gt, 0, pred.shape[1] - 1).astype(jnp.int32)
    nll = -jnp.take_along_axis(logp, idx[:, None], axis=1)[:, 0]
    valid = gt != IGNORE_INDEX
    loss_mat = jnp.where(valid, nll, 0.0)
    # loss = loss_mat.view(1, -1); topk over flattened losses
    loss = loss_mat.reshape(1, -1)
    topk_num = max(int(TOP_RATIO * loss.shape[1]), 1)
    loss_topk = jax.lax.top_k(loss, topk_num)[0]
    return loss.mean() + TOP_WEIGHT * loss_topk.mean()

if __name__ == "__main__":
    import jax
    _d = setup_inputs()
    print(jax.jit(kernel)(*tuple(_d.values())))

</pallas_src>

<mosaic_0001>
#map = affine_map<(d0, d1) -> (0)>
module attributes {stable_mosaic.version = 14 : i64} {
  func.func @topk_k(%arg0: i32, %arg1: i32, %arg2: memref<1024xf32, #tpu.memory_space<hbm>>, %arg3: memref<1024xi32, #tpu.memory_space<hbm>>, %arg4: memref<16xf32, #tpu.memory_space<hbm>>, %arg5: memref<1024xf32, #tpu.memory_space<vmem>>, %arg6: memref<1024xi32, #tpu.memory_space<vmem>>) attributes {dimension_semantics = [#tpu.dimension_semantics<core_parallel>, #tpu.dimension_semantics<subcore_parallel>], iteration_bounds = array<i64: 2, 16>, scalar_prefetch = 0 : i64, scratch_operands = 2 : i64, tpu.core_type = #tpu.core_type<sc_vector_subcore>, window_params = [{transform_indices = #map}, {transform_indices = #map}, {transform_indices = #map}]} {
    %mul3A = arith.constant 2 : i32
    %mul3A_0 = arith.muli %arg1, %mul3A : i32
    %add3A = arith.addi %mul3A_0, %arg0 : i32
    %eq3A = arith.constant 0 : i32
    %eq3A_1 = arith.cmpi eq, %add3A, %eq3A : i32
    %convert_element_type3A = arith.extui %eq3A_1 : i1 to i32
    %cond3A = arith.constant 0 : i32
    %cond3A_2 = arith.cmpi ne, %convert_element_type3A, %cond3A : i32
    scf.if %cond3A_2 {
      "tpu.region"() ({
        %run_scoped3A = tpu.sem_alloc : memref<!tpu.dma_semaphore, #tpu.memory_space<semaphore_mem>>
        tpu.enqueue_dma source(%arg2 : memref<1024xf32, #tpu.memory_space<hbm>>) target(%arg5 : memref<1024xf32, #tpu.memory_space<vmem>>) target_semaphore(%run_scoped3A : memref<!tpu.dma_semaphore, #tpu.memory_space<semaphore_mem>>)
        tpu.wait_dma2 semaphore(%run_scoped3A : memref<!tpu.dma_semaphore, #tpu.memory_space<semaphore_mem>>) src(%arg2 : memref<1024xf32, #tpu.memory_space<hbm>>) dst(%arg5 : memref<1024xf32, #tpu.memory_space<vmem>>)
        tpu.yield
      }) : () -> ()
      "tpu.region"() ({
        %run_scoped3A = tpu.sem_alloc : memref<!tpu.dma_semaphore, #tpu.memory_space<semaphore_mem>>
        tpu.enqueue_dma source(%arg3 : memref<1024xi32, #tpu.memory_space<hbm>>) target(%arg6 : memref<1024xi32, #tpu.memory_space<vmem>>) target_semaphore(%run_scoped3A : memref<!tpu.dma_semaphore, #tpu.memory_space<semaphore_mem>>)
        tpu.wait_dma2 semaphore(%run_scoped3A : memref<!tpu.dma_semaphore, #tpu.memory_space<semaphore_mem>>) src(%arg3 : memref<1024xi32, #tpu.memory_space<hbm>>) dst(%arg6 : memref<1024xi32, #tpu.memory_space<vmem>>)
        tpu.yield
      }) : () -> ()
      %broadcast_in_dim3A = arith.constant -2147483648 : i32
      %broadcast_in_dim3A_3 = vector.broadcast %broadcast_in_dim3A : i32 to vector<16xi32>
      %broadcast_in_dim3A_4 = arith.constant 307 : i32
      %broadcast_in_dim3A_5 = vector.broadcast %broadcast_in_dim3A_4 : i32 to vector<16xi32>
      %broadcast_in_dim3A_6 = arith.constant 1 : i32
      %broadcast_in_dim3A_7 = vector.broadcast %broadcast_in_dim3A_6 : i32 to vector<16xi32>
      %broadcast_in_dim3A_8 = arith.constant 0 : i32
      %broadcast_in_dim3A_9 = vector.broadcast %broadcast_in_dim3A_8 : i32 to vector<16xi32>
      %broadcast_in_dim3A_10 = arith.constant 0.000000e+00 : f32
      %broadcast_in_dim3A_11 = vector.broadcast %broadcast_in_dim3A_10 : f32 to vector<16xf32>
      %scan3A = arith.constant 0 : i32
      %scan3A_12 = arith.constant 8 : i32
      %scan3A_13 = arith.addi %scan3A, %scan3A_12 : i32
      %scan3A_14 = arith.constant 1 : i32
      %scan3A_15 = scf.for %scan3A_223 = %scan3A to %scan3A_13 step %scan3A_14 iter_args(%scan3A_224 = %broadcast_in_dim3A_11) -> (vector<16xf32>)  : i32 {
        %mul3A_225 = arith.constant 128 : i32
        %mul3A_226 = arith.muli %scan3A_223, %mul3A_225 : i32
        %add3A_227 = arith.constant 0 : i32
        %add3A_228 = arith.addi %mul3A_226, %add3A_227 : i32
        %get3A = arith.index_cast %add3A_228 : i32 to index
        %get3A_229 = tpu.vector_load %arg5[%get3A] {strides = array<i32>} : memref<1024xf32, #tpu.memory_space<vmem>>, vector<16xf32>,
        %get3A_230 = vector.shape_cast %get3A_229 : vector<16xf32> to vector<16xf32>
        %add3A_231 = arith.addf %scan3A_224, %get3A_230 : vector<16xf32>
        %add3A_232 = arith.constant 16 : i32
        %add3A_233 = arith.addi %mul3A_226, %add3A_232 : i32
        %get3A_234 = arith.index_cast %add3A_233 : i32 to index
        %get3A_235 = tpu.vector_load %arg5[%get3A_234] {strides = array<i32>} : memref<1024xf32, #tpu.memory_space<vmem>>, vector<16xf32>,
        %get3A_236 = vector.shape_cast %get3A_235 : vector<16xf32> to vector<16xf32>
        %add3A_237 = arith.addf %add3A_231, %get3A_236 : vector<16xf32>
        %add3A_238 = arith.constant 32 : i32
        %add3A_239 = arith.addi %mul3A_226, %add3A_238 : i32
        %get3A_240 = arith.index_cast %add3A_239 : i32 to index
        %get3A_241 = tpu.vector_load %arg5[%get3A_240] {strides = array<i32>} : memref<1024xf32, #tpu.memory_space<vmem>>, vector<16xf32>,
        %get3A_242 = vector.shape_cast %get3A_241 : vector<16xf32> to vector<16xf32>
        %add3A_243 = arith.addf %add3A_237, %get3A_242 : vector<16xf32>
        %add3A_244 = arith.constant 48 : i32
        %add3A_245 = arith.addi %mul3A_226, %add3A_244 : i32
        %get3A_246 = arith.index_cast %add3A_245 : i32 to index
        %get3A_247 = tpu.vector_load %arg5[%get3A_246] {strides = array<i32>} : memref<1024xf32, #tpu.memory_space<vmem>>, vector<16xf32>,
        %get3A_248 = vector.shape_cast %get3A_247 : vector<16xf32> to vector<16xf32>
        %add3A_249 = arith.addf %add3A_243, %get3A_248 : vector<16xf32>
        %add3A_250 = arith.constant 64 : i32
        %add3A_251 = arith.addi %mul3A_226, %add3A_250 : i32
        %get3A_252 = arith.index_cast %add3A_251 : i32 to index
        %get3A_253 = tpu.vector_load %arg5[%get3A_252] {strides = array<i32>} : memref<1024xf32, #tpu.memory_space<vmem>>, vector<16xf32>,
        %get3A_254 = vector.shape_cast %get3A_253 : vector<16xf32> to vector<16xf32>
        %add3A_255 = arith.addf %add3A_249, %get3A_254 : vector<16xf32>
        %add3A_256 = arith.constant 80 : i32
        %add3A_257 = arith.addi %mul3A_226, %add3A_256 : i32
        %get3A_258 = arith.index_cast %add3A_257 : i32 to index
        %get3A_259 = tpu.vector_load %arg5[%get3A_258] {strides = array<i32>} : memref<1024xf32, #tpu.memory_space<vmem>>, vector<16xf32>,
        %get3A_260 = vector.shape_cast %get3A_259 : vector<16xf32> to vector<16xf32>
        %add3A_261 = arith.addf %add3A_255, %get3A_260 : vector<16xf32>
        %add3A_262 = arith.constant 96 : i32
        %add3A_263 = arith.addi %mul3A_226, %add3A_262 : i32
        %get3A_264 = arith.index_cast %add3A_263 : i32 to index
        %get3A_265 = tpu.vector_load %arg5[%get3A_264] {strides = array<i32>} : memref<1024xf32, #tpu.memory_space<vmem>>, vector<16xf32>,
        %get3A_266 = vector.shape_cast %get3A_265 : vector<16xf32> to vector<16xf32>
        %add3A_267 = arith.addf %add3A_261, %get3A_266 : vector<16xf32>
        %add3A_268 = arith.constant 112 : i32
        %add3A_269 = arith.addi %mul3A_226, %add3A_268 : i32
        %get3A_270 = arith.index_cast %add3A_269 : i32 to index
        %get3A_271 = tpu.vector_load %arg5[%get3A_270] {strides = array<i32>} : memref<1024xf32, #tpu.memory_space<vmem>>, vector<16xf32>,
        %get3A_272 = vector.shape_cast %get3A_271 : vector<16xf32> to vector<16xf32>
        %add3A_273 = arith.addf %add3A_267, %get3A_272 : vector<16xf32>
        scf.yield %add3A_273 : vector<16xf32>
      }
      %scan3A_16 = arith.constant 8 : i32
      %iota3A = tpu.iota {dimensions = array<i32: 0>} : vector<16xi32>
      %add3A_17 = arith.constant 8 : i32
      %add3A_18 = vector.broadcast %add3A_17 : i32 to vector<16xi32>
      %add3A_19 = arith.addi %iota3A, %add3A_18 : vector<16xi32>
      %and3A = arith.constant 15 : i32
      %and3A_20 = vector.broadcast %and3A : i32 to vector<16xi32>
      %and3A_21 = arith.andi %add3A_19, %and3A_20 : vector<16xi32>
      %reshape3A = vector.shape_cast %and3A_21 : vector<16xi32> to vector<16x1xi32>
      %gather3A = vector.shape_cast %reshape3A : vector<16x1xi32> to vector<16xi32>
      %gather3A_22 = tpu.dynamic_gather %scan3A_15[%gather3A] in [0] : vector<16xf32>, vector<16xi32> -> vector<16xf32>
      %add3A_23 = arith.addf %scan3A_15, %gather3A_22 : vector<16xf32>
      %iota3A_24 = tpu.iota {dimensions = array<i32: 0>} : vector<16xi32>
      %add3A_25 = arith.constant 4 : i32
      %add3A_26 = vector.broadcast %add3A_25 : i32 to vector<16xi32>
      %add3A_27 = arith.addi %iota3A_24, %add3A_26 : vector<16xi32>
      %and3A_28 = arith.constant 15 : i32
      %and3A_29 = vector.broadcast %and3A_28 : i32 to vector<16xi32>
      %and3A_30 = arith.andi %add3A_27, %and3A_29 : vector<16xi32>
      %reshape3A_31 = vector.shape_cast %and3A_30 : vector<16xi32> to vector<16x1xi32>
      %gather3A_32 = vector.shape_cast %reshape3A_31 : vector<16x1xi32> to vector<16xi32>
      %gather3A_33 = tpu.dynamic_gather %add3A_23[%gather3A_32] in [0] : vector<16xf32>, vector<16xi32> -> vector<16xf32>
      %add3A_34 = arith.addf %add3A_23, %gather3A_33 : vector<16xf32>
      %iota3A_35 = tpu.iota {dimensions = array<i32: 0>} : vector<16xi32>
      %add3A_36 = arith.constant 2 : i32
      %add3A_37 = vector.broadcast %add3A_36 : i32 to vector<16xi32>
      %add3A_38 = arith.addi %iota3A_35, %add3A_37 : vector<16xi32>
      %and3A_39 = arith.constant 15 : i32
      %and3A_40 = vector.broadcast %and3A_39 : i32 to vector<16xi32>
      %and3A_41 = arith.andi %add3A_38, %and3A_40 : vector<16xi32>
      %reshape3A_42 = vector.shape_cast %and3A_41 : vector<16xi32> to vector<16x1xi32>
      %gather3A_43 = vector.shape_cast %reshape3A_42 : vector<16x1xi32> to vector<16xi32>
      %gather3A_44 = tpu.dynamic_gather %add3A_34[%gather3A_43] in [0] : vector<16xf32>, vector<16xi32> -> vector<16xf32>
      %add3A_45 = arith.addf %add3A_34, %gather3A_44 : vector<16xf32>
      %iota3A_46 = tpu.iota {dimensions = array<i32: 0>} : vector<16xi32>
      %add3A_47 = arith.constant 1 : i32
      %add3A_48 = vector.broadcast %add3A_47 : i32 to vector<16xi32>
      %add3A_49 = arith.addi %iota3A_46, %add3A_48 : vector<16xi32>
      %and3A_50 = arith.constant 15 : i32
      %and3A_51 = vector.broadcast %and3A_50 : i32 to vector<16xi32>
      %and3A_52 = arith.andi %add3A_49, %and3A_51 : vector<16xi32>
      %reshape3A_53 = vector.shape_cast %and3A_52 : vector<16xi32> to vector<16x1xi32>
      %gather3A_54 = vector.shape_cast %reshape3A_53 : vector<16x1xi32> to vector<16xi32>
      %gather3A_55 = tpu.dynamic_gather %add3A_45[%gather3A_54] in [0] : vector<16xf32>, vector<16xi32> -> vector<16xf32>
      %add3A_56 = arith.addf %add3A_45, %gather3A_55 : vector<16xf32>
      %broadcast_in_dim3A_57 = arith.constant 0 : i32
      %broadcast_in_dim3A_58 = vector.broadcast %broadcast_in_dim3A_57 : i32 to vector<16xi32>
      %scan3A_59 = arith.constant 0 : i32
      %scan3A_60 = arith.constant 32 : i32
      %scan3A_61 = arith.addi %scan3A_59, %scan3A_60 : i32
      %scan3A_62 = arith.constant 1 : i32
      %scan3A_63 = scf.for %scan3A_223 = %scan3A_59 to %scan3A_61 step %scan3A_62 iter_args(%scan3A_224 = %broadcast_in_dim3A_58) -> (vector<16xi32>)  : i32 {
        %broadcast_in_dim3A_225 = arith.constant 1 : i32
        %broadcast_in_dim3A_226 = vector.broadcast %broadcast_in_dim3A_225 : i32 to vector<16xi32>
        %broadcast_in_dim3A_227 = arith.constant 31 : i32
        %broadcast_in_dim3A_228 = vector.broadcast %broadcast_in_dim3A_227 : i32 to vector<16xi32>
        %sub3A_229 = vector.broadcast %scan3A_223 : i32 to vector<16xi32>
        %sub3A_230 = arith.subi %broadcast_in_dim3A_228, %sub3A_229 : vector<16xi32>
        %shift_left3A = arith.shli %broadcast_in_dim3A_226, %sub3A_230 : vector<16xi32>
        %or3A = arith.ori %scan3A_224, %shift_left3A : vector<16xi32>
        %xor3A_231 = arith.xori %or3A, %broadcast_in_dim3A_3 : vector<16xi32>
        %broadcast_in_dim3A_232 = arith.constant 0 : i32
        %broadcast_in_dim3A_233 = vector.broadcast %broadcast_in_dim3A_232 : i32 to vector<16xi32>
        %scan3A_234 = arith.constant 0 : i32
        %scan3A_235 = arith.constant 8 : i32
        %scan3A_236 = arith.addi %scan3A_234, %scan3A_235 : i32
        %scan3A_237 = arith.constant 1 : i32
        %scan3A_238 = scf.for %scan3A_284 = %scan3A_234 to %scan3A_236 step %scan3A_237 iter_args(%scan3A_285 = %broadcast_in_dim3A_233) -> (vector<16xi32>)  : i32 {
          %mul3A_286 = arith.constant 128 : i32
          %mul3A_287 = arith.muli %scan3A_284, %mul3A_286 : i32
          %add3A_288 = arith.constant 0 : i32
          %add3A_289 = arith.addi %mul3A_287, %add3A_288 : i32
          %get3A = arith.index_cast %add3A_289 : i32 to index
          %get3A_290 = tpu.vector_load %arg6[%get3A] {strides = array<i32>} : memref<1024xi32, #tpu.memory_space<vmem>>, vector<16xi32>,
          %get3A_291 = vector.shape_cast %get3A_290 : vector<16xi32> to vector<16xi32>
          %ge3A_292 = arith.cmpi sge, %get3A_291, %xor3A_231 : vector<16xi32>
          %select_n3A_293 = arith.select %ge3A_292, %broadcast_in_dim3A_7, %broadcast_in_dim3A_9 : vector<16xi1>, vector<16xi32>
          %add3A_294 = arith.addi %scan3A_285, %select_n3A_293 : vector<16xi32>
          %add3A_295 = arith.constant 16 : i32
          %add3A_296 = arith.addi %mul3A_287, %add3A_295 : i32
          %get3A_297 = arith.index_cast %add3A_296 : i32 to index
          %get3A_298 = tpu.vector_load %arg6[%get3A_297] {strides = array<i32>} : memref<1024xi32, #tpu.memory_space<vmem>>, vector<16xi32>,
          %get3A_299 = vector.shape_cast %get3A_298 : vector<16xi32> to vector<16xi32>
          %ge3A_300 = arith.cmpi sge, %get3A_299, %xor3A_231 : vector<16xi32>
          %select_n3A_301 = arith.select %ge3A_300, %broadcast_in_dim3A_7, %broadcast_in_dim3A_9 : vector<16xi1>, vector<16xi32>
          %add3A_302 = arith.addi %add3A_294, %select_n3A_301 : vector<16xi32>
          %add3A_303 = arith.constant 32 : i32
          %add3A_304 = arith.addi %mul3A_287, %add3A_303 : i32
          %get3A_305 = arith.index_cast %add3A_304 : i32 to index
          %get3A_306 = tpu.vector_load %arg6[%get3A_305] {strides = array<i32>} : memref<1024xi32, #tpu.memory_space<vmem>>, vector<16xi32>,
          %get3A_307 = vector.shape_cast %get3A_306 : vector<16xi32> to vector<16xi32>
          %ge3A_308 = arith.cmpi sge, %get3A_307, %xor3A_231 : vector<16xi32>
          %select_n3A_309 = arith.select %ge3A_308, %broadcast_in_dim3A_7, %broadcast_in_dim3A_9 : vector<16xi1>, vector<16xi32>
          %add3A_310 = arith.addi %add3A_302, %select_n3A_309 : vector<16xi32>
          %add3A_311 = arith.constant 48 : i32
          %add3A_312 = arith.addi %mul3A_287, %add3A_311 : i32
          %get3A_313 = arith.index_cast %add3A_312 : i32 to index
          %get3A_314 = tpu.vector_load %arg6[%get3A_313] {strides = array<i32>} : memref<1024xi32, #tpu.memory_space<vmem>>, vector<16xi32>,
          %get3A_315 = vector.shape_cast %get3A_314 : vector<16xi32> to vector<16xi32>
          %ge3A_316 = arith.cmpi sge, %get3A_315, %xor3A_231 : vector<16xi32>
          %select_n3A_317 = arith.select %ge3A_316, %broadcast_in_dim3A_7, %broadcast_in_dim3A_9 : vector<16xi1>, vector<16xi32>
          %add3A_318 = arith.addi %add3A_310, %select_n3A_317 : vector<16xi32>
          %add3A_319 = arith.constant 64 : i32
          %add3A_320 = arith.addi %mul3A_287, %add3A_319 : i32
          %get3A_321 = arith.index_cast %add3A_320 : i32 to index
          %get3A_322 = tpu.vector_load %arg6[%get3A_321] {strides = array<i32>} : memref<1024xi32, #tpu.memory_space<vmem>>, vector<16xi32>,
          %get3A_323 = vector.shape_cast %get3A_322 : vector<16xi32> to vector<16xi32>
          %ge3A_324 = arith.cmpi sge, %get3A_323, %xor3A_231 : vector<16xi32>
          %select_n3A_325 = arith.select %ge3A_324, %broadcast_in_dim3A_7, %broadcast_in_dim3A_9 : vector<16xi1>, vector<16xi32>
          %add3A_326 = arith.addi %add3A_318, %select_n3A_325 : vector<16xi32>
          %add3A_327 = arith.constant 80 : i32
          %add3A_328 = arith.addi %mul3A_287, %add3A_327 : i32
          %get3A_329 = arith.index_cast %add3A_328 : i32 to index
          %get3A_330 = tpu.vector_load %arg6[%get3A_329] {strides = array<i32>} : memref<1024xi32, #tpu.memory_space<vmem>>, vector<16xi32>,
          %get3A_331 = vector.shape_cast %get3A_330 : vector<16xi32> to vector<16xi32>
          %ge3A_332 = arith.cmpi sge, %get3A_331, %xor3A_231 : vector<16xi32>
          %select_n3A_333 = arith.select %ge3A_332, %broadcast_in_dim3A_7, %broadcast_in_dim3A_9 : vector<16xi1>, vector<16xi32>
          %add3A_334 = arith.addi %add3A_326, %select_n3A_333 : vector<16xi32>
          %add3A_335 = arith.constant 96 : i32
          %add3A_336 = arith.addi %mul3A_287, %add3A_335 : i32
          %get3A_337 = arith.index_cast %add3A_336 : i32 to index
          %get3A_338 = tpu.vector_load %arg6[%get3A_337] {strides = array<i32>} : memref<1024xi32, #tpu.memory_space<vmem>>, vector<16xi32>,
          %get3A_339 = vector.shape_cast %get3A_338 : vector<16xi32> to vector<16xi32>
          %ge3A_340 = arith.cmpi sge, %get3A_339, %xor3A_231 : vector<16xi32>
          %select_n3A_341 = arith.select %ge3A_340, %broadcast_in_dim3A_7, %broadcast_in_dim3A_9 : vector<16xi1>, vector<16xi32>
          %add3A_342 = arith.addi %add3A_334, %select_n3A_341 : vector<16xi32>
          %add3A_343 = arith.constant 112 : i32
          %add3A_344 = arith.addi %mul3A_287, %add3A_343 : i32
          %get3A_345 = arith.index_cast %add3A_344 : i32 to index
          %get3A_346 = tpu.vector_load %arg6[%get3A_345] {strides = array<i32>} : memref<1024xi32, #tpu.memory_space<vmem>>, vector<16xi32>,
          %get3A_347 = vector.shape_cast %get3A_346 : vector<16xi32> to vector<16xi32>
          %ge3A_348 = arith.cmpi sge, %get3A_347, %xor3A_231 : vector<16xi32>
          %select_n3A_349 = arith.select %ge3A_348, %broadcast_in_dim3A_7, %broadcast_in_dim3A_9 : vector<16xi1>, vector<16xi32>
          %add3A_350 = arith.addi %add3A_342, %select_n3A_349 : vector<16xi32>
          scf.yield %add3A_350 : vector<16xi32>
        }
        %scan3A_239 = arith.constant 8 : i32
        %iota3A_240 = tpu.iota {dimensions = array<i32: 0>} : vector<16xi32>
        %add3A_241 = arith.constant 8 : i32
        %add3A_242 = vector.broadcast %add3A_241 : i32 to vector<16xi32>
        %add3A_243 = arith.addi %iota3A_240, %add3A_242 : vector<16xi32>
        %and3A_244 = arith.constant 15 : i32
        %and3A_245 = vector.broadcast %and3A_244 : i32 to vector<16xi32>
        %and3A_246 = arith.andi %add3A_243, %and3A_245 : vector<16xi32>
        %reshape3A_247 = vector.shape_cast %and3A_246 : vector<16xi32> to vector<16x1xi32>
        %gather3A_248 = vector.shape_cast %reshape3A_247 : vector<16x1xi32> to vector<16xi32>
        %gather3A_249 = tpu.dynamic_gather %scan3A_238[%gather3A_248] in [0] : vector<16xi32>, vector<16xi32> -> vector<16xi32>
        %add3A_250 = arith.addi %scan3A_238, %gather3A_249 : vector<16xi32>
        %iota3A_251 = tpu.iota {dimensions = array<i32: 0>} : vector<16xi32>
        %add3A_252 = arith.constant 4 : i32
        %add3A_253 = vector.broadcast %add3A_252 : i32 to vector<16xi32>
        %add3A_254 = arith.addi %iota3A_251, %add3A_253 : vector<16xi32>
        %and3A_255 = arith.constant 15 : i32
        %and3A_256 = vector.broadcast %and3A_255 : i32 to vector<16xi32>
        %and3A_257 = arith.andi %add3A_254, %and3A_256 : vector<16xi32>
        %reshape3A_258 = vector.shape_cast %and3A_257 : vector<16xi32> to vector<16x1xi32>
        %gather3A_259 = vector.shape_cast %reshape3A_258 : vector<16x1xi32> to vector<16xi32>
        %gather3A_260 = tpu.dynamic_gather %add3A_250[%gather3A_259] in [0] : vector<16xi32>, vector<16xi32> -> vector<16xi32>
        %add3A_261 = arith.addi %add3A_250, %gather3A_260 : vector<16xi32>
        %iota3A_262 = tpu.iota {dimensions = array<i32: 0>} : vector<16xi32>
        %add3A_263 = arith.constant 2 : i32
        %add3A_264 = vector.broadcast %add3A_263 : i32 to vector<16xi32>
        %add3A_265 = arith.addi %iota3A_262, %add3A_264 : vector<16xi32>
        %and3A_266 = arith.constant 15 : i32
        %and3A_267 = vector.broadcast %and3A_266 : i32 to vector<16xi32>
        %and3A_268 = arith.andi %add3A_265, %and3A_267 : vector<16xi32>
        %reshape3A_269 = vector.shape_cast %and3A_268 : vector<16xi32> to vector<16x1xi32>
        %gather3A_270 = vector.shape_cast %reshape3A_269 : vector<16x1xi32> to vector<16xi32>
        %gather3A_271 = tpu.dynamic_gather %add3A_261[%gather3A_270] in [0] : vector<16xi32>, vector<16xi32> -> vector<16xi32>
        %add3A_272 = arith.addi %add3A_261, %gather3A_271 : vector<16xi32>
        %iota3A_273 = tpu.iota {dimensions = array<i32: 0>} : vector<16xi32>
        %add3A_274 = arith.constant 1 : i32
        %add3A_275 = vector.broadcast %add3A_274 : i32 to vector<16xi32>
        %add3A_276 = arith.addi %iota3A_273, %add3A_275 : vector<16xi32>
        %and3A_277 = arith.constant 15 : i32
        %and3A_278 = vector.broadcast %and3A_277 : i32 to vector<16xi32>
        %and3A_279 = arith.andi %add3A_276, %and3A_278 : vector<16xi32>
        %reshape3A_280 = vector.shape_cast %and3A_279 : vector<16xi32> to vector<16x1xi32>
        %gather3A_281 = vector.shape_cast %reshape3A_280 : vector<16x1xi32> to vector<16xi32>
        %gather3A_282 = tpu.dynamic_gather %add3A_272[%gather3A_281] in [0] : vector<16xi32>, vector<16xi32> -> vector<16xi32>
        %add3A_283 = arith.addi %add3A_272, %gather3A_282 : vector<16xi32>
        %ge3A = arith.cmpi sge, %add3A_283, %broadcast_in_dim3A_5 : vector<16xi32>
        %select_n3A = arith.select %ge3A, %or3A, %scan3A_224 : vector<16xi1>, vector<16xi32>
        scf.yield %select_n3A : vector<16xi32>
      }
      %scan3A_64 = arith.constant 32 : i32
      %xor3A = arith.xori %scan3A_63, %broadcast_in_dim3A_3 : vector<16xi32>
      %broadcast_in_dim3A_65 = arith.constant 0 : i32
      %broadcast_in_dim3A_66 = vector.broadcast %broadcast_in_dim3A_65 : i32 to vector<16xi32>
      %broadcast_in_dim3A_67 = arith.constant 0.000000e+00 : f32
      %broadcast_in_dim3A_68 = vector.broadcast %broadcast_in_dim3A_67 : f32 to vector<16xf32>
      %broadcast_in_dim3A_69 = arith.constant 0xFF800000 : f32
      %broadcast_in_dim3A_70 = vector.broadcast %broadcast_in_dim3A_69 : f32 to vector<16xf32>
      %scan3A_71 = arith.constant 0 : i32
      %scan3A_72 = arith.constant 8 : i32
      %scan3A_73 = arith.addi %scan3A_71, %scan3A_72 : i32
      %scan3A_74 = arith.constant 1 : i32
      %scan3A_75:3 = scf.for %scan3A_223 = %scan3A_71 to %scan3A_73 step %scan3A_74 iter_args(%scan3A_224 = %broadcast_in_dim3A_66, %scan3A_225 = %broadcast_in_dim3A_68, %scan3A_226 = %broadcast_in_dim3A_70) -> (vector<16xi32>, vector<16xf32>, vector<16xf32>)  : i32 {
        %mul3A_227 = arith.constant 128 : i32
        %mul3A_228 = arith.muli %scan3A_223, %mul3A_227 : i32
        %add3A_229 = arith.constant 0 : i32
        %add3A_230 = arith.addi %mul3A_228, %add3A_229 : i32
        %get3A = arith.index_cast %add3A_230 : i32 to index
        %get3A_231 = tpu.vector_load %arg6[%get3A] {strides = array<i32>} : memref<1024xi32, #tpu.memory_space<vmem>>, vector<16xi32>,
        %get3A_232 = vector.shape_cast %get3A_231 : vector<16xi32> to vector<16xi32>
        %add3A_233 = arith.constant 0 : i32
        %add3A_234 = arith.addi %mul3A_228, %add3A_233 : i32
        %get3A_235 = arith.index_cast %add3A_234 : i32 to index
        %get3A_236 = tpu.vector_load %arg5[%get3A_235] {strides = array<i32>} : memref<1024xf32, #tpu.memory_space<vmem>>, vector<16xf32>,
        %get3A_237 = vector.shape_cast %get3A_236 : vector<16xf32> to vector<16xf32>
        %gt3A = arith.cmpi sgt, %get3A_232, %xor3A : vector<16xi32>
        %select_n3A = arith.select %gt3A, %broadcast_in_dim3A_7, %broadcast_in_dim3A_9 : vector<16xi1>, vector<16xi32>
        %add3A_238 = arith.addi %scan3A_224, %select_n3A : vector<16xi32>
        %jit3A = arith.constant 0.000000e+00 : f32
        %broadcast_in_dim3A_239 = vector.broadcast %jit3A : f32 to vector<16xf32>
        %select_n3A_240 = arith.select %gt3A, %get3A_237, %broadcast_in_dim3A_239 : vector<16xi1>, vector<16xf32>
        %add3A_241 = arith.addf %scan3A_225, %select_n3A_240 : vector<16xf32>
        %eq3A_242 = arith.cmpi eq, %get3A_232, %xor3A : vector<16xi32>
        %jit3A_243 = arith.constant 0xFF800000 : f32
        %broadcast_in_dim3A_244 = vector.broadcast %jit3A_243 : f32 to vector<16xf32>
        %select_n3A_245 = arith.select %eq3A_242, %get3A_237, %broadcast_in_dim3A_244 : vector<16xi1>, vector<16xf32>
        %max3A_246 = arith.maximumf %scan3A_226, %select_n3A_245 : vector<16xf32>
        %add3A_247 = arith.constant 16 : i32
        %add3A_248 = arith.addi %mul3A_228, %add3A_247 : i32
        %get3A_249 = arith.index_cast %add3A_248 : i32 to index
        %get3A_250 = tpu.vector_load %arg6[%get3A_249] {strides = array<i32>} : memref<1024xi32, #tpu.memory_space<vmem>>, vector<16xi32>,
        %get3A_251 = vector.shape_cast %get3A_250 : vector<16xi32> to vector<16xi32>
        %add3A_252 = arith.constant 16 : i32
        %add3A_253 = arith.addi %mul3A_228, %add3A_252 : i32
        %get3A_254 = arith.index_cast %add3A_253 : i32 to index
        %get3A_255 = tpu.vector_load %arg5[%get3A_254] {strides = array<i32>} : memref<1024xf32, #tpu.memory_space<vmem>>, vector<16xf32>,
        %get3A_256 = vector.shape_cast %get3A_255 : vector<16xf32> to vector<16xf32>
        %gt3A_257 = arith.cmpi sgt, %get3A_251, %xor3A : vector<16xi32>
        %select_n3A_258 = arith.select %gt3A_257, %broadcast_in_dim3A_7, %broadcast_in_dim3A_9 : vector<16xi1>, vector<16xi32>
        %add3A_259 = arith.addi %add3A_238, %select_n3A_258 : vector<16xi32>
        %jit3A_260 = arith.constant 0.000000e+00 : f32
        %broadcast_in_dim3A_261 = vector.broadcast %jit3A_260 : f32 to vector<16xf32>
        %select_n3A_262 = arith.select %gt3A_257, %get3A_256, %broadcast_in_dim3A_261 : vector<16xi1>, vector<16xf32>
        %add3A_263 = arith.addf %add3A_241, %select_n3A_262 : vector<16xf32>
        %eq3A_264 = arith.cmpi eq, %get3A_251, %xor3A : vector<16xi32>
        %jit3A_265 = arith.constant 0xFF800000 : f32
        %broadcast_in_dim3A_266 = vector.broadcast %jit3A_265 : f32 to vector<16xf32>
        %select_n3A_267 = arith.select %eq3A_264, %get3A_256, %broadcast_in_dim3A_266 : vector<16xi1>, vector<16xf32>
        %max3A_268 = arith.maximumf %max3A_246, %select_n3A_267 : vector<16xf32>
        %add3A_269 = arith.constant 32 : i32
        %add3A_270 = arith.addi %mul3A_228, %add3A_269 : i32
        %get3A_271 = arith.index_cast %add3A_270 : i32 to index
        %get3A_272 = tpu.vector_load %arg6[%get3A_271] {strides = array<i32>} : memref<1024xi32, #tpu.memory_space<vmem>>, vector<16xi32>,
        %get3A_273 = vector.shape_cast %get3A_272 : vector<16xi32> to vector<16xi32>
        %add3A_274 = arith.constant 32 : i32
        %add3A_275 = arith.addi %mul3A_228, %add3A_274 : i32
        %get3A_276 = arith.index_cast %add3A_275 : i32 to index
        %get3A_277 = tpu.vector_load %arg5[%get3A_276] {strides = array<i32>} : memref<1024xf32, #tpu.memory_space<vmem>>, vector<16xf32>,
        %get3A_278 = vector.shape_cast %get3A_277 : vector<16xf32> to vector<16xf32>
        %gt3A_279 = arith.cmpi sgt, %get3A_273, %xor3A : vector<16xi32>
        %select_n3A_280 = arith.select %gt3A_279, %broadcast_in_dim3A_7, %broadcast_in_dim3A_9 : vector<16xi1>, vector<16xi32>
        %add3A_281 = arith.addi %add3A_259, %select_n3A_280 : vector<16xi32>
        %jit3A_282 = arith.constant 0.000000e+00 : f32
        %broadcast_in_dim3A_283 = vector.broadcast %jit3A_282 : f32 to vector<16xf32>
        %select_n3A_284 = arith.select %gt3A_279, %get3A_278, %broadcast_in_dim3A_283 : vector<16xi1>, vector<16xf32>
        %add3A_285 = arith.addf %add3A_263, %select_n3A_284 : vector<16xf32>
        %eq3A_286 = arith.cmpi eq, %get3A_273, %xor3A : vector<16xi32>
        %jit3A_287 = arith.constant 0xFF800000 : f32
        %broadcast_in_dim3A_288 = vector.broadcast %jit3A_287 : f32 to vector<16xf32>
        %select_n3A_289 = arith.select %eq3A_286, %get3A_278, %broadcast_in_dim3A_288 : vector<16xi1>, vector<16xf32>
        %max3A_290 = arith.maximumf %max3A_268, %select_n3A_289 : vector<16xf32>
        %add3A_291 = arith.constant 48 : i32
        %add3A_292 = arith.addi %mul3A_228, %add3A_291 : i32
        %get3A_293 = arith.index_cast %add3A_292 : i32 to index
        %get3A_294 = tpu.vector_load %arg6[%get3A_293] {strides = array<i32>} : memref<1024xi32, #tpu.memory_space<vmem>>, vector<16xi32>,
        %get3A_295 = vector.shape_cast %get3A_294 : vector<16xi32> to vector<16xi32>
        %add3A_296 = arith.constant 48 : i32
        %add3A_297 = arith.addi %mul3A_228, %add3A_296 : i32
        %get3A_298 = arith.index_cast %add3A_297 : i32 to index
        %get3A_299 = tpu.vector_load %arg5[%get3A_298] {strides = array<i32>} : memref<1024xf32, #tpu.memory_space<vmem>>, vector<16xf32>,
        %get3A_300 = vector.shape_cast %get3A_299 : vector<16xf32> to vector<16xf32>
        %gt3A_301 = arith.cmpi sgt, %get3A_295, %xor3A : vector<16xi32>
        %select_n3A_302 = arith.select %gt3A_301, %broadcast_in_dim3A_7, %broadcast_in_dim3A_9 : vector<16xi1>, vector<16xi32>
        %add3A_303 = arith.addi %add3A_281, %select_n3A_302 : vector<16xi32>
        %jit3A_304 = arith.constant 0.000000e+00 : f32
        %broadcast_in_dim3A_305 = vector.broadcast %jit3A_304 : f32 to vector<16xf32>
        %select_n3A_306 = arith.select %gt3A_301, %get3A_300, %broadcast_in_dim3A_305 : vector<16xi1>, vector<16xf32>
        %add3A_307 = arith.addf %add3A_285, %select_n3A_306 : vector<16xf32>
        %eq3A_308 = arith.cmpi eq, %get3A_295, %xor3A : vector<16xi32>
        %jit3A_309 = arith.constant 0xFF800000 : f32
        %broadcast_in_dim3A_310 = vector.broadcast %jit3A_309 : f32 to vector<16xf32>
        %select_n3A_311 = arith.select %eq3A_308, %get3A_300, %broadcast_in_dim3A_310 : vector<16xi1>, vector<16xf32>
        %max3A_312 = arith.maximumf %max3A_290, %select_n3A_311 : vector<16xf32>
        %add3A_313 = arith.constant 64 : i32
        %add3A_314 = arith.addi %mul3A_228, %add3A_313 : i32
        %get3A_315 = arith.index_cast %add3A_314 : i32 to index
        %get3A_316 = tpu.vector_load %arg6[%get3A_315] {strides = array<i32>} : memref<1024xi32, #tpu.memory_space<vmem>>, vector<16xi32>,
        %get3A_317 = vector.shape_cast %get3A_316 : vector<16xi32> to vector<16xi32>
        %add3A_318 = arith.constant 64 : i32
        %add3A_319 = arith.addi %mul3A_228, %add3A_318 : i32
        %get3A_320 = arith.index_cast %add3A_319 : i32 to index
        %get3A_321 = tpu.vector_load %arg5[%get3A_320] {strides = array<i32>} : memref<1024xf32, #tpu.memory_space<vmem>>, vector<16xf32>,
        %get3A_322 = vector.shape_cast %get3A_321 : vector<16xf32> to vector<16xf32>
        %gt3A_323 = arith.cmpi sgt, %get3A_317, %xor3A : vector<16xi32>
        %select_n3A_324 = arith.select %gt3A_323, %broadcast_in_dim3A_7, %broadcast_in_dim3A_9 : vector<16xi1>, vector<16xi32>
        %add3A_325 = arith.addi %add3A_303, %select_n3A_324 : vector<16xi32>
        %jit3A_326 = arith.constant 0.000000e+00 : f32
        %broadcast_in_dim3A_327 = vector.broadcast %jit3A_326 : f32 to vector<16xf32>
        %select_n3A_328 = arith.select %gt3A_323, %get3A_322, %broadcast_in_dim3A_327 : vector<16xi1>, vector<16xf32>
        %add3A_329 = arith.addf %add3A_307, %select_n3A_328 : vector<16xf32>
        %eq3A_330 = arith.cmpi eq, %get3A_317, %xor3A : vector<16xi32>
        %jit3A_331 = arith.constant 0xFF800000 : f32
        %broadcast_in_dim3A_332 = vector.broadcast %jit3A_331 : f32 to vector<16xf32>
        %select_n3A_333 = arith.select %eq3A_330, %get3A_322, %broadcast_in_dim3A_332 : vector<16xi1>, vector<16xf32>
        %max3A_334 = arith.maximumf %max3A_312, %select_n3A_333 : vector<16xf32>
        %add3A_335 = arith.constant 80 : i32
        %add3A_336 = arith.addi %mul3A_228, %add3A_335 : i32
        %get3A_337 = arith.index_cast %add3A_336 : i32 to index
        %get3A_338 = tpu.vector_load %arg6[%get3A_337] {strides = array<i32>} : memref<1024xi32, #tpu.memory_space<vmem>>, vector<16xi32>,
        %get3A_339 = vector.shape_cast %get3A_338 : vector<16xi32> to vector<16xi32>
        %add3A_340 = arith.constant 80 : i32
        %add3A_341 = arith.addi %mul3A_228, %add3A_340 : i32
        %get3A_342 = arith.index_cast %add3A_341 : i32 to index
        %get3A_343 = tpu.vector_load %arg5[%get3A_342] {strides = array<i32>} : memref<1024xf32, #tpu.memory_space<vmem>>, vector<16xf32>,
        %get3A_344 = vector.shape_cast %get3A_343 : vector<16xf32> to vector<16xf32>
        %gt3A_345 = arith.cmpi sgt, %get3A_339, %xor3A : vector<16xi32>
        %select_n3A_346 = arith.select %gt3A_345, %broadcast_in_dim3A_7, %broadcast_in_dim3A_9 : vector<16xi1>, vector<16xi32>
        %add3A_347 = arith.addi %add3A_325, %select_n3A_346 : vector<16xi32>
        %jit3A_348 = arith.constant 0.000000e+00 : f32
        %broadcast_in_dim3A_349 = vector.broadcast %jit3A_348 : f32 to vector<16xf32>
        %select_n3A_350 = arith.select %gt3A_345, %get3A_344, %broadcast_in_dim3A_349 : vector<16xi1>, vector<16xf32>
        %add3A_351 = arith.addf %add3A_329, %select_n3A_350 : vector<16xf32>
        %eq3A_352 = arith.cmpi eq, %get3A_339, %xor3A : vector<16xi32>
        %jit3A_353 = arith.constant 0xFF800000 : f32
        %broadcast_in_dim3A_354 = vector.broadcast %jit3A_353 : f32 to vector<16xf32>
        %select_n3A_355 = arith.select %eq3A_352, %get3A_344, %broadcast_in_dim3A_354 : vector<16xi1>, vector<16xf32>
        %max3A_356 = arith.maximumf %max3A_334, %select_n3A_355 : vector<16xf32>
        %add3A_357 = arith.constant 96 : i32
        %add3A_358 = arith.addi %mul3A_228, %add3A_357 : i32
        %get3A_359 = arith.index_cast %add3A_358 : i32 to index
        %get3A_360 = tpu.vector_load %arg6[%get3A_359] {strides = array<i32>} : memref<1024xi32, #tpu.memory_space<vmem>>, vector<16xi32>,
        %get3A_361 = vector.shape_cast %get3A_360 : vector<16xi32> to vector<16xi32>
        %add3A_362 = arith.constant 96 : i32
        %add3A_363 = arith.addi %mul3A_228, %add3A_362 : i32
        %get3A_364 = arith.index_cast %add3A_363 : i32 to index
        %get3A_365 = tpu.vector_load %arg5[%get3A_364] {strides = array<i32>} : memref<1024xf32, #tpu.memory_space<vmem>>, vector<16xf32>,
        %get3A_366 = vector.shape_cast %get3A_365 : vector<16xf32> to vector<16xf32>
        %gt3A_367 = arith.cmpi sgt, %get3A_361, %xor3A : vector<16xi32>
        %select_n3A_368 = arith.select %gt3A_367, %broadcast_in_dim3A_7, %broadcast_in_dim3A_9 : vector<16xi1>, vector<16xi32>
        %add3A_369 = arith.addi %add3A_347, %select_n3A_368 : vector<16xi32>
        %jit3A_370 = arith.constant 0.000000e+00 : f32
        %broadcast_in_dim3A_371 = vector.broadcast %jit3A_370 : f32 to vector<16xf32>
        %select_n3A_372 = arith.select %gt3A_367, %get3A_366, %broadcast_in_dim3A_371 : vector<16xi1>, vector<16xf32>
        %add3A_373 = arith.addf %add3A_351, %select_n3A_372 : vector<16xf32>
        %eq3A_374 = arith.cmpi eq, %get3A_361, %xor3A : vector<16xi32>
        %jit3A_375 = arith.constant 0xFF800000 : f32
        %broadcast_in_dim3A_376 = vector.broadcast %jit3A_375 : f32 to vector<16xf32>
        %select_n3A_377 = arith.select %eq3A_374, %get3A_366, %broadcast_in_dim3A_376 : vector<16xi1>, vector<16xf32>
        %max3A_378 = arith.maximumf %max3A_356, %select_n3A_377 : vector<16xf32>
        %add3A_379 = arith.constant 112 : i32
        %add3A_380 = arith.addi %mul3A_228, %add3A_379 : i32
        %get3A_381 = arith.index_cast %add3A_380 : i32 to index
        %get3A_382 = tpu.vector_load %arg6[%get3A_381] {strides = array<i32>} : memref<1024xi32, #tpu.memory_space<vmem>>, vector<16xi32>,
        %get3A_383 = vector.shape_cast %get3A_382 : vector<16xi32> to vector<16xi32>
        %add3A_384 = arith.constant 112 : i32
        %add3A_385 = arith.addi %mul3A_228, %add3A_384 : i32
        %get3A_386 = arith.index_cast %add3A_385 : i32 to index
        %get3A_387 = tpu.vector_load %arg5[%get3A_386] {strides = array<i32>} : memref<1024xf32, #tpu.memory_space<vmem>>, vector<16xf32>,
        %get3A_388 = vector.shape_cast %get3A_387 : vector<16xf32> to vector<16xf32>
        %gt3A_389 = arith.cmpi sgt, %get3A_383, %xor3A : vector<16xi32>
        %select_n3A_390 = arith.select %gt3A_389, %broadcast_in_dim3A_7, %broadcast_in_dim3A_9 : vector<16xi1>, vector<16xi32>
        %add3A_391 = arith.addi %add3A_369, %select_n3A_390 : vector<16xi32>
        %jit3A_392 = arith.constant 0.000000e+00 : f32
        %broadcast_in_dim3A_393 = vector.broadcast %jit3A_392 : f32 to vector<16xf32>
        %select_n3A_394 = arith.select %gt3A_389, %get3A_388, %broadcast_in_dim3A_393 : vector<16xi1>, vector<16xf32>
        %add3A_395 = arith.addf %add3A_373, %select_n3A_394 : vector<16xf32>
        %eq3A_396 = arith.cmpi eq, %get3A_383, %xor3A : vector<16xi32>
        %jit3A_397 = arith.constant 0xFF800000 : f32
        %broadcast_in_dim3A_398 = vector.broadcast %jit3A_397 : f32 to vector<16xf32>
        %select_n3A_399 = arith.select %eq3A_396, %get3A_388, %broadcast_in_dim3A_398 : vector<16xi1>, vector<16xf32>
        %max3A_400 = arith.maximumf %max3A_378, %select_n3A_399 : vector<16xf32>
        scf.yield %add3A_391, %add3A_395, %max3A_400 : vector<16xi32>, vector<16xf32>, vector<16xf32>
      }
      %scan3A_76 = arith.constant 8 : i32
      %iota3A_77 = tpu.iota {dimensions = array<i32: 0>} : vector<16xi32>
      %add3A_78 = arith.constant 8 : i32
      %add3A_79 = vector.broadcast %add3A_78 : i32 to vector<16xi32>
      %add3A_80 = arith.addi %iota3A_77, %add3A_79 : vector<16xi32>
      %and3A_81 = arith.constant 15 : i32
      %and3A_82 = vector.broadcast %and3A_81 : i32 to vector<16xi32>
      %and3A_83 = arith.andi %add3A_80, %and3A_82 : vector<16xi32>
      %reshape3A_84 = vector.shape_cast %and3A_83 : vector<16xi32> to vector<16x1xi32>
      %gather3A_85 = vector.shape_cast %reshape3A_84 : vector<16x1xi32> to vector<16xi32>
      %gather3A_86 = tpu.dynamic_gather %scan3A_75#2[%gather3A_85] in [0] : vector<16xf32>, vector<16xi32> -> vector<16xf32>
      %max3A = arith.maximumf %scan3A_75#2, %gather3A_86 : vector<16xf32>
      %iota3A_87 = tpu.iota {dimensions = array<i32: 0>} : vector<16xi32>
      %add3A_88 = arith.constant 4 : i32
      %add3A_89 = vector.broadcast %add3A_88 : i32 to vector<16xi32>
      %add3A_90 = arith.addi %iota3A_87, %add3A_89 : vector<16xi32>
      %and3A_91 = arith.constant 15 : i32
      %and3A_92 = vector.broadcast %and3A_91 : i32 to vector<16xi32>
      %and3A_93 = arith.andi %add3A_90, %and3A_92 : vector<16xi32>
      %reshape3A_94 = vector.shape_cast %and3A_93 : vector<16xi32> to vector<16x1xi32>
      %gather3A_95 = vector.shape_cast %reshape3A_94 : vector<16x1xi32> to vector<16xi32>
      %gather3A_96 = tpu.dynamic_gather %max3A[%gather3A_95] in [0] : vector<16xf32>, vector<16xi32> -> vector<16xf32>
      %max3A_97 = arith.maximumf %max3A, %gather3A_96 : vector<16xf32>
      %iota3A_98 = tpu.iota {dimensions = array<i32: 0>} : vector<16xi32>
      %add3A_99 = arith.constant 2 : i32
      %add3A_100 = vector.broadcast %add3A_99 : i32 to vector<16xi32>
      %add3A_101 = arith.addi %iota3A_98, %add3A_100 : vector<16xi32>
      %and3A_102 = arith.constant 15 : i32
      %and3A_103 = vector.broadcast %and3A_102 : i32 to vector<16xi32>
      %and3A_104 = arith.andi %add3A_101, %and3A_103 : vector<16xi32>
      %reshape3A_105 = vector.shape_cast %and3A_104 : vector<16xi32> to vector<16x1xi32>
      %gather3A_106 = vector.shape_cast %reshape3A_105 : vector<16x1xi32> to vector<16xi32>
      %gather3A_107 = tpu.dynamic_gather %max3A_97[%gather3A_106] in [0] : vector<16xf32>, vector<16xi32> -> vector<16xf32>
      %max3A_108 = arith.maximumf %max3A_97, %gather3A_107 : vector<16xf32>
      %iota3A_109 = tpu.iota {dimensions = array<i32: 0>} : vector<16xi32>
      %add3A_110 = arith.constant 1 : i32
      %add3A_111 = vector.broadcast %add3A_110 : i32 to vector<16xi32>
      %add3A_112 = arith.addi %iota3A_109, %add3A_111 : vector<16xi32>
      %and3A_113 = arith.constant 15 : i32
      %and3A_114 = vector.broadcast %and3A_113 : i32 to vector<16xi32>
      %and3A_115 = arith.andi %add3A_112, %and3A_114 : vector<16xi32>
      %reshape3A_116 = vector.shape_cast %and3A_115 : vector<16xi32> to vector<16x1xi32>
      %gather3A_117 = vector.shape_cast %reshape3A_116 : vector<16x1xi32> to vector<16xi32>
      %gather3A_118 = tpu.dynamic_gather %max3A_108[%gather3A_117] in [0] : vector<16xf32>, vector<16xi32> -> vector<16xf32>
      %max3A_119 = arith.maximumf %max3A_108, %gather3A_118 : vector<16xf32>
      %iota3A_120 = tpu.iota {dimensions = array<i32: 0>} : vector<16xi32>
      %add3A_121 = arith.constant 8 : i32
      %add3A_122 = vector.broadcast %add3A_121 : i32 to vector<16xi32>
      %add3A_123 = arith.addi %iota3A_120, %add3A_122 : vector<16xi32>
      %and3A_124 = arith.constant 15 : i32
      %and3A_125 = vector.broadcast %and3A_124 : i32 to vector<16xi32>
      %and3A_126 = arith.andi %add3A_123, %and3A_125 : vector<16xi32>
      %reshape3A_127 = vector.shape_cast %and3A_126 : vector<16xi32> to vector<16x1xi32>
      %gather3A_128 = vector.shape_cast %reshape3A_127 : vector<16x1xi32> to vector<16xi32>
      %gather3A_129 = tpu.dynamic_gather %scan3A_75#0[%gather3A_128] in [0] : vector<16xi32>, vector<16xi32> -> vector<16xi32>
      %add3A_130 = arith.addi %scan3A_75#0, %gather3A_129 : vector<16xi32>
      %iota3A_131 = tpu.iota {dimensions = array<i32: 0>} : vector<16xi32>
      %add3A_132 = arith.constant 4 : i32
      %add3A_133 = vector.broadcast %add3A_132 : i32 to vector<16xi32>
      %add3A_134 = arith.addi %iota3A_131, %add3A_133 : vector<16xi32>
      %and3A_135 = arith.constant 15 : i32
      %and3A_136 = vector.broadcast %and3A_135 : i32 to vector<16xi32>
      %and3A_137 = arith.andi %add3A_134, %and3A_136 : vector<16xi32>
      %reshape3A_138 = vector.shape_cast %and3A_137 : vector<16xi32> to vector<16x1xi32>
      %gather3A_139 = vector.shape_cast %reshape3A_138 : vector<16x1xi32> to vector<16xi32>
      %gather3A_140 = tpu.dynamic_gather %add3A_130[%gather3A_139] in [0] : vector<16xi32>, vector<16xi32> -> vector<16xi32>
      %add3A_141 = arith.addi %add3A_130, %gather3A_140 : vector<16xi32>
      %iota3A_142 = tpu.iota {dimensions = array<i32: 0>} : vector<16xi32>
      %add3A_143 = arith.constant 2 : i32
      %add3A_144 = vector.broadcast %add3A_143 : i32 to vector<16xi32>
      %add3A_145 = arith.addi %iota3A_142, %add3A_144 : vector<16xi32>
      %and3A_146 = arith.constant 15 : i32
      %and3A_147 = vector.broadcast %and3A_146 : i32 to vector<16xi32>
      %and3A_148 = arith.andi %add3A_145, %and3A_147 : vector<16xi32>
      %reshape3A_149 = vector.shape_cast %and3A_148 : vector<16xi32> to vector<16x1xi32>
      %gather3A_150 = vector.shape_cast %reshape3A_149 : vector<16x1xi32> to vector<16xi32>
      %gather3A_151 = tpu.dynamic_gather %add3A_141[%gather3A_150] in [0] : vector<16xi32>, vector<16xi32> -> vector<16xi32>
      %add3A_152 = arith.addi %add3A_141, %gather3A_151 : vector<16xi32>
      %iota3A_153 = tpu.iota {dimensions = array<i32: 0>} : vector<16xi32>
      %add3A_154 = arith.constant 1 : i32
      %add3A_155 = vector.broadcast %add3A_154 : i32 to vector<16xi32>
      %add3A_156 = arith.addi %iota3A_153, %add3A_155 : vector<16xi32>
      %and3A_157 = arith.constant 15 : i32
      %and3A_158 = vector.broadcast %and3A_157 : i32 to vector<16xi32>
      %and3A_159 = arith.andi %add3A_156, %and3A_158 : vector<16xi32>
      %reshape3A_160 = vector.shape_cast %and3A_159 : vector<16xi32> to vector<16x1xi32>
      %gather3A_161 = vector.shape_cast %reshape3A_160 : vector<16x1xi32> to vector<16xi32>
      %gather3A_162 = tpu.dynamic_gather %add3A_152[%gather3A_161] in [0] : vector<16xi32>, vector<16xi32> -> vector<16xi32>
      %add3A_163 = arith.addi %add3A_152, %gather3A_162 : vector<16xi32>
      %iota3A_164 = tpu.iota {dimensions = array<i32: 0>} : vector<16xi32>
      %add3A_165 = arith.constant 8 : i32
      %add3A_166 = vector.broadcast %add3A_165 : i32 to vector<16xi32>
      %add3A_167 = arith.addi %iota3A_164, %add3A_166 : vector<16xi32>
      %and3A_168 = arith.constant 15 : i32
      %and3A_169 = vector.broadcast %and3A_168 : i32 to vector<16xi32>
      %and3A_170 = arith.andi %add3A_167, %and3A_169 : vector<16xi32>
      %reshape3A_171 = vector.shape_cast %and3A_170 : vector<16xi32> to vector<16x1xi32>
      %gather3A_172 = vector.shape_cast %reshape3A_171 : vector<16x1xi32> to vector<16xi32>
      %gather3A_173 = tpu.dynamic_gather %scan3A_75#1[%gather3A_172] in [0] : vector<16xf32>, vector<16xi32> -> vector<16xf32>
      %add3A_174 = arith.addf %scan3A_75#1, %gather3A_173 : vector<16xf32>
      %iota3A_175 = tpu.iota {dimensions = array<i32: 0>} : vector<16xi32>
      %add3A_176 = arith.constant 4 : i32
      %add3A_177 = vector.broadcast %add3A_176 : i32 to vector<16xi32>
      %add3A_178 = arith.addi %iota3A_175, %add3A_177 : vector<16xi32>
      %and3A_179 = arith.constant 15 : i32
      %and3A_180 = vector.broadcast %and3A_179 : i32 to vector<16xi32>
      %and3A_181 = arith.andi %add3A_178, %and3A_180 : vector<16xi32>
      %reshape3A_182 = vector.shape_cast %and3A_181 : vector<16xi32> to vector<16x1xi32>
      %gather3A_183 = vector.shape_cast %reshape3A_182 : vector<16x1xi32> to vector<16xi32>
      %gather3A_184 = tpu.dynamic_gather %add3A_174[%gather3A_183] in [0] : vector<16xf32>, vector<16xi32> -> vector<16xf32>
      %add3A_185 = arith.addf %add3A_174, %gather3A_184 : vector<16xf32>
      %iota3A_186 = tpu.iota {dimensions = array<i32: 0>} : vector<16xi32>
      %add3A_187 = arith.constant 2 : i32
      %add3A_188 = vector.broadcast %add3A_187 : i32 to vector<16xi32>
      %add3A_189 = arith.addi %iota3A_186, %add3A_188 : vector<16xi32>
      %and3A_190 = arith.constant 15 : i32
      %and3A_191 = vector.broadcast %and3A_190 : i32 to vector<16xi32>
      %and3A_192 = arith.andi %add3A_189, %and3A_191 : vector<16xi32>
      %reshape3A_193 = vector.shape_cast %and3A_192 : vector<16xi32> to vector<16x1xi32>
      %gather3A_194 = vector.shape_cast %reshape3A_193 : vector<16x1xi32> to vector<16xi32>
      %gather3A_195 = tpu.dynamic_gather %add3A_185[%gather3A_194] in [0] : vector<16xf32>, vector<16xi32> -> vector<16xf32>
      %add3A_196 = arith.addf %add3A_185, %gather3A_195 : vector<16xf32>
      %iota3A_197 = tpu.iota {dimensions = array<i32: 0>} : vector<16xi32>
      %add3A_198 = arith.constant 1 : i32
      %add3A_199 = vector.broadcast %add3A_198 : i32 to vector<16xi32>
      %add3A_200 = arith.addi %iota3A_197, %add3A_199 : vector<16xi32>
      %and3A_201 = arith.constant 15 : i32
      %and3A_202 = vector.broadcast %and3A_201 : i32 to vector<16xi32>
      %and3A_203 = arith.andi %add3A_200, %and3A_202 : vector<16xi32>
      %reshape3A_204 = vector.shape_cast %and3A_203 : vector<16xi32> to vector<16x1xi32>
      %gather3A_205 = vector.shape_cast %reshape3A_204 : vector<16x1xi32> to vector<16xi32>
      %gather3A_206 = tpu.dynamic_gather %add3A_196[%gather3A_205] in [0] : vector<16xf32>, vector<16xi32> -> vector<16xf32>
      %add3A_207 = arith.addf %add3A_196, %gather3A_206 : vector<16xf32>
      %sub3A = arith.subi %broadcast_in_dim3A_5, %add3A_163 : vector<16xi32>
      %convert_element_type3A_208 = arith.sitofp %sub3A : vector<16xi32> to vector<16xf32>
      %mul3A_209 = arith.mulf %convert_element_type3A_208, %max3A_119 : vector<16xf32>
      %add3A_210 = arith.addf %add3A_207, %mul3A_209 : vector<16xf32>
      %div3A = arith.constant 1.024000e+03 : f32
      %div3A_211 = vector.broadcast %div3A : f32 to vector<16xf32>
      %div3A_212 = arith.divf %add3A_56, %div3A_211 : vector<16xf32>
      %mul3A_213 = arith.constant 1.000000e+00 : f32
      %mul3A_214 = vector.broadcast %mul3A_213 : f32 to vector<16xf32>
      %mul3A_215 = arith.mulf %mul3A_214, %add3A_210 : vector<16xf32>
      %div3A_216 = arith.constant 3.070000e+02 : f32
      %div3A_217 = vector.broadcast %div3A_216 : f32 to vector<16xf32>
      %div3A_218 = arith.divf %mul3A_215, %div3A_217 : vector<16xf32>
      %add3A_219 = arith.addf %div3A_212, %div3A_218 : vector<16xf32>
      %swap3A = arith.constant 0 : index
      %swap3A_220 = tpu.vector_load %arg5[%swap3A] {strides = array<i32>} : memref<1024xf32, #tpu.memory_space<vmem>>, vector<16xf32>,
      %swap3A_221 = vector.shape_cast %swap3A_220 : vector<16xf32> to vector<16xf32>
      %swap3A_222 = vector.shape_cast %add3A_219 : vector<16xf32> to vector<16xf32>
      tpu.vector_store %arg5[%swap3A], %swap3A_222 {strides = array<i32>} : memref<1024xf32, #tpu.memory_space<vmem>>, vector<16xf32>,
      "tpu.region"() ({
        %run_scoped3A = tpu.sem_alloc : memref<!tpu.dma_semaphore, #tpu.memory_space<semaphore_mem>>
        %dma_start3A = arith.constant 0 : i32
        %dma_start3A_223 = tpu.memref_slice %arg5[%dma_start3A] : memref<1024xf32, #tpu.memory_space<vmem>> -> memref<16xf32, #tpu.memory_space<vmem>>
        %dma_start3A_224 = arith.constant 0 : i32
        %dma_start3A_225 = tpu.memref_slice %arg5[%dma_start3A_224] : memref<1024xf32, #tpu.memory_space<vmem>> -> memref<16xf32, #tpu.memory_space<vmem>>
        tpu.enqueue_dma source(%dma_start3A_225 : memref<16xf32, #tpu.memory_space<vmem>>) target(%arg4 : memref<16xf32, #tpu.memory_space<hbm>>) target_semaphore(%run_scoped3A : memref<!tpu.dma_semaphore, #tpu.memory_space<semaphore_mem>>)
        %dma_wait3A = arith.constant 0 : i32
        %dma_wait3A_226 = tpu.memref_slice %arg5[%dma_wait3A] : memref<1024xf32, #tpu.memory_space<vmem>> -> memref<16xf32, #tpu.memory_space<vmem>>
        %dma_wait3A_227 = arith.constant 0 : i32
        %dma_wait3A_228 = tpu.memref_slice %arg5[%dma_wait3A_227] : memref<1024xf32, #tpu.memory_space<vmem>> -> memref<16xf32, #tpu.memory_space<vmem>>
        tpu.wait_dma2 semaphore(%run_scoped3A : memref<!tpu.dma_semaphore, #tpu.memory_space<semaphore_mem>>) src(%dma_wait3A_228 : memref<16xf32, #tpu.memory_space<vmem>>) dst(%arg4 : memref<16xf32, #tpu.memory_space<hbm>>)
        tpu.yield
      }) : () -> ()
    } else {
    }
    return
  }
}

module attributes {stable_mosaic.version = 14 : i64} {
  func.func @_lse_body(%arg0: i32, %arg1: memref<1x1024xi32, #tpu.memory_space<vmem>>, %arg2: memref<2000x1024xf32, #tpu.memory_space<vmem>>, %arg3: memref<1024xf32, #tpu.memory_space<vmem>>, %arg4: memref<1024xi32, #tpu.memory_space<vmem>>, %arg5: memref<1x1024xf32, #tpu.memory_space<vmem>>, %arg6: memref<1x1024xf32, #tpu.memory_space<vmem>>, %arg7: memref<1x1024xf32, #tpu.memory_space<vmem>>) attributes {dimension_semantics = [#tpu.dimension_semantics<arbitrary>], iteration_bounds = array<i64: 50>, scalar_prefetch = 0 : i64, scratch_operands = 3 : i64, tpu.core_type = #tpu.core_type<tc>, window_params = [{pipeline_mode = #tpu.pipeline_mode<synchronous>, transform_indices = @transform_0, window_bounds = array<i64: 1, 1024>}, {transform_indices = @transform_1, window_bounds = array<i64: 2000, 1024>}, {pipeline_mode = #tpu.pipeline_mode<synchronous>, transform_indices = @transform_2, window_bounds = array<i64: 1024>}, {pipeline_mode = #tpu.pipeline_mode<synchronous>, transform_indices = @transform_3, window_bounds = array<i64: 1024>}]} {
    %get3A = arith.constant 0 : index
    %get3A_0 = arith.constant 0 : index
    %get3A_1 = vector.load %arg1[%get3A, %get3A_0] : memref<1x1024xi32, #tpu.memory_space<vmem>>, vector<1x1024xi32>
    %eq3A = arith.constant 0 : i32
    %eq3A_2 = arith.cmpi eq, %arg0, %eq3A : i32
    %convert_element_type3A = arith.extui %eq3A_2 : i1 to i32
    %cond3A = arith.constant 0 : i32
    %cond3A_3 = arith.cmpi ne, %convert_element_type3A, %cond3A : i32
    scf.if %cond3A_3 {
      %broadcast_in_dim3A_151 = arith.constant 0xFF800000 : f32
      %broadcast_in_dim3A_152 = vector.broadcast %broadcast_in_dim3A_151 : f32 to vector<1x1024xf32>
      %swap3A_153 = arith.constant 0 : index
      %swap3A_154 = arith.constant 0 : index
      %swap3A_155 = vector.load %arg5[%swap3A_153, %swap3A_154] : memref<1x1024xf32, #tpu.memory_space<vmem>>, vector<1x1024xf32>
      tpu.vector_store %arg5[%swap3A_153, %swap3A_154], %broadcast_in_dim3A_152 {strides = array<i32>} : memref<1x1024xf32, #tpu.memory_space<vmem>>, vector<1x1024xf32>,
      %broadcast_in_dim3A_156 = arith.constant 0.000000e+00 : f32
      %broadcast_in_dim3A_157 = vector.broadcast %broadcast_in_dim3A_156 : f32 to vector<1x1024xf32>
      %swap3A_158 = arith.constant 0 : index
      %swap3A_159 = arith.constant 0 : index
      %swap3A_160 = vector.load %arg6[%swap3A_158, %swap3A_159] : memref<1x1024xf32, #tpu.memory_space<vmem>>, vector<1x1024xf32>
      tpu.vector_store %arg6[%swap3A_158, %swap3A_159], %broadcast_in_dim3A_157 {strides = array<i32>} : memref<1x1024xf32, #tpu.memory_space<vmem>>, vector<1x1024xf32>,
      %broadcast_in_dim3A_161 = arith.constant 0.000000e+00 : f32
      %broadcast_in_dim3A_162 = vector.broadcast %broadcast_in_dim3A_161 : f32 to vector<1x1024xf32>
      %swap3A_163 = arith.constant 0 : index
      %swap3A_164 = arith.constant 0 : index
      %swap3A_165 = vector.load %arg7[%swap3A_163, %swap3A_164] : memref<1x1024xf32, #tpu.memory_space<vmem>>, vector<1x1024xf32>
      tpu.vector_store %arg7[%swap3A_163, %swap3A_164], %broadcast_in_dim3A_162 {strides = array<i32>} : memref<1x1024xf32, #tpu.memory_space<vmem>>, vector<1x1024xf32>,
    } else {
    }
    %get3A_4 = arith.constant 0 : index
    %get3A_5 = arith.constant 0 : index
    %get3A_6 = vector.load %arg2[%get3A_4, %get3A_5] : memref<2000x1024xf32, #tpu.memory_space<vmem>>, vector<500x1024xf32>
    %reduce_max3A = arith.constant dense<0xFF800000> : vector<1024xf32>
    %reduce_max3A_7 = vector.multi_reduction <maximumf>, %get3A_6, %reduce_max3A [0] : vector<500x1024xf32> to vector<1024xf32>
    %broadcast_in_dim3A = vector.shape_cast %reduce_max3A_7 : vector<1024xf32> to vector<1x1024xf32>
    %get3A_8 = arith.constant 500 : index
    %get3A_9 = arith.constant 0 : index
    %get3A_10 = vector.load %arg2[%get3A_8, %get3A_9] : memref<2000x1024xf32, #tpu.memory_space<vmem>>, vector<500x1024xf32>
    %reduce_max3A_11 = arith.constant dense<0xFF800000> : vector<1024xf32>
    %reduce_max3A_12 = vector.multi_reduction <maximumf>, %get3A_10, %reduce_max3A_11 [0] : vector<500x1024xf32> to vector<1024xf32>
    %broadcast_in_dim3A_13 = vector.shape_cast %reduce_max3A_12 : vector<1024xf32> to vector<1x1024xf32>
    %max3A = arith.maximumf %broadcast_in_dim3A, %broadcast_in_dim3A_13 : vector<1x1024xf32>
    %get3A_14 = arith.constant 1000 : index
    %get3A_15 = arith.constant 0 : index
    %get3A_16 = vector.load %arg2[%get3A_14, %get3A_15] : memref<2000x1024xf32, #tpu.memory_space<vmem>>, vector<500x1024xf32>
    %reduce_max3A_17 = arith.constant dense<0xFF800000> : vector<1024xf32>
    %reduce_max3A_18 = vector.multi_reduction <maximumf>, %get3A_16, %reduce_max3A_17 [0] : vector<500x1024xf32> to vector<1024xf32>
    %broadcast_in_dim3A_19 = vector.shape_cast %reduce_max3A_18 : vector<1024xf32> to vector<1x1024xf32>
    %max3A_20 = arith.maximumf %max3A, %broadcast_in_dim3A_19 : vector<1x1024xf32>
    %get3A_21 = arith.constant 1500 : index
    %get3A_22 = arith.constant 0 : index
    %get3A_23 = vector.load %arg2[%get3A_21, %get3A_22] : memref<2000x1024xf32, #tpu.memory_space<vmem>>, vector<500x1024xf32>
    %reduce_max3A_24 = arith.constant dense<0xFF800000> : vector<1024xf32>
    %reduce_max3A_25 = vector.multi_reduction <maximumf>, %get3A_23, %reduce_max3A_24 [0] : vector<500x1024xf32> to vector<1024xf32>
    %broadcast_in_dim3A_26 = vector.shape_cast %reduce_max3A_25 : vector<1024xf32> to vector<1x1024xf32>
    %max3A_27 = arith.maximumf %max3A_20, %broadcast_in_dim3A_26 : vector<1x1024xf32>
    %mul3A = arith.constant 2000 : i32
    %mul3A_28 = arith.muli %arg0, %mul3A : i32
    %sub3A = vector.broadcast %mul3A_28 : i32 to vector<1x1024xi32>
    %sub3A_29 = arith.subi %get3A_1, %sub3A : vector<1x1024xi32>
    %broadcast_in_dim3A_30 = arith.constant 0.000000e+00 : f32
    %broadcast_in_dim3A_31 = vector.broadcast %broadcast_in_dim3A_30 : f32 to vector<1x1024xf32>
    %broadcast_in_dim3A_32 = arith.constant 0.000000e+00 : f32
    %broadcast_in_dim3A_33 = vector.broadcast %broadcast_in_dim3A_32 : f32 to vector<1x1024xf32>
    %get3A_34 = arith.constant 0 : index
    %get3A_35 = arith.constant 0 : index
    %get3A_36 = vector.load %arg2[%get3A_34, %get3A_35] : memref<2000x1024xf32, #tpu.memory_space<vmem>>, vector<500x1024xf32>
    %sub3A_37 = vector.broadcast %max3A_27 : vector<1x1024xf32> to vector<500x1024xf32>
    %sub3A_38 = arith.subf %get3A_36, %sub3A_37 : vector<500x1024xf32>
    %exp3A = math.exp %sub3A_38 : vector<500x1024xf32>
    %reduce_sum3A = arith.constant dense<0.000000e+00> : vector<1024xf32>
    %reduce_sum3A_39 = vector.multi_reduction <add>, %exp3A, %reduce_sum3A [0] : vector<500x1024xf32> to vector<1024xf32>
    %broadcast_in_dim3A_40 = vector.shape_cast %reduce_sum3A_39 : vector<1024xf32> to vector<1x1024xf32>
    %add3A = arith.addf %broadcast_in_dim3A_31, %broadcast_in_dim3A_40 : vector<1x1024xf32>
    %iota3A = tpu.iota {dimensions = array<i32: 0>} : vector<500x1024xi32>
    %add3A_41 = arith.constant 0 : i32
    %add3A_42 = vector.broadcast %add3A_41 : i32 to vector<500x1024xi32>
    %add3A_43 = arith.addi %iota3A, %add3A_42 : vector<500x1024xi32>
    %eq3A_44 = vector.broadcast %sub3A_29 : vector<1x1024xi32> to vector<500x1024xi32>
    %eq3A_45 = arith.cmpi eq, %add3A_43, %eq3A_44 : vector<500x1024xi32>
    %jit3A = arith.constant 0.000000e+00 : f32
    %broadcast_in_dim3A_46 = vector.broadcast %jit3A : f32 to vector<500x1024xf32>
    %select_n3A = arith.select %eq3A_45, %get3A_36, %broadcast_in_dim3A_46 : vector<500x1024xi1>, vector<500x1024xf32>
    %reduce_sum3A_47 = arith.constant dense<0.000000e+00> : vector<1024xf32>
    %reduce_sum3A_48 = vector.multi_reduction <add>, %select_n3A, %reduce_sum3A_47 [0] : vector<500x1024xf32> to vector<1024xf32>
    %broadcast_in_dim3A_49 = vector.shape_cast %reduce_sum3A_48 : vector<1024xf32> to vector<1x1024xf32>
    %add3A_50 = arith.addf %broadcast_in_dim3A_33, %broadcast_in_dim3A_49 : vector<1x1024xf32>
    %get3A_51 = arith.constant 500 : index
    %get3A_52 = arith.constant 0 : index
    %get3A_53 = vector.load %arg2[%get3A_51, %get3A_52] : memref<2000x1024xf32, #tpu.memory_space<vmem>>, vector<500x1024xf32>
    %sub3A_54 = vector.broadcast %max3A_27 : vector<1x1024xf32> to vector<500x1024xf32>
    %sub3A_55 = arith.subf %get3A_53, %sub3A_54 : vector<500x1024xf32>
    %exp3A_56 = math.exp %sub3A_55 : vector<500x1024xf32>
    %reduce_sum3A_57 = arith.constant dense<0.000000e+00> : vector<1024xf32>
    %reduce_sum3A_58 = vector.multi_reduction <add>, %exp3A_56, %reduce_sum3A_57 [0] : vector<500x1024xf32> to vector<1024xf32>
    %broadcast_in_dim3A_59 = vector.shape_cast %reduce_sum3A_58 : vector<1024xf32> to vector<1x1024xf32>
    %add3A_60 = arith.addf %add3A, %broadcast_in_dim3A_59 : vector<1x1024xf32>
    %iota3A_61 = tpu.iota {dimensions = array<i32: 0>} : vector<500x1024xi32>
    %add3A_62 = arith.constant 500 : i32
    %add3A_63 = vector.broadcast %add3A_62 : i32 to vector<500x1024xi32>
    %add3A_64 = arith.addi %iota3A_61, %add3A_63 : vector<500x1024xi32>
    %eq3A_65 = vector.broadcast %sub3A_29 : vector<1x1024xi32> to vector<500x1024xi32>
    %eq3A_66 = arith.cmpi eq, %add3A_64, %eq3A_65 : vector<500x1024xi32>
    %jit3A_67 = arith.constant 0.000000e+00 : f32
    %broadcast_in_dim3A_68 = vector.broadcast %jit3A_67 : f32 to vector<500x1024xf32>
    %select_n3A_69 = arith.select %eq3A_66, %get3A_53, %broadcast_in_dim3A_68 : vector<500x1024xi1>, vector<500x1024xf32>
    %reduce_sum3A_70 = arith.constant dense<0.000000e+00> : vector<1024xf32>
    %reduce_sum3A_71 = vector.multi_reduction <add>, %select_n3A_69, %reduce_sum3A_70 [0] : vector<500x1024xf32> to vector<1024xf32>
    %broadcast_in_dim3A_72 = vector.shape_cast %reduce_sum3A_71 : vector<1024xf32> to vector<1x1024xf32>
    %add3A_73 = arith.addf %add3A_50, %broadcast_in_dim3A_72 : vector<1x1024xf32>
    %get3A_74 = arith.constant 1000 : index
    %get3A_75 = arith.constant 0 : index
    %get3A_76 = vector.load %arg2[%get3A_74, %get3A_75] : memref<2000x1024xf32, #tpu.memory_space<vmem>>, vector<500x1024xf32>
    %sub3A_77 = vector.broadcast %max3A_27 : vector<1x1024xf32> to vector<500x1024xf32>
    %sub3A_78 = arith.subf %get3A_76, %sub3A_77 : vector<500x1024xf32>
    %exp3A_79 = math.exp %sub3A_78 : vector<500x1024xf32>
    %reduce_sum3A_80 = arith.constant dense<0.000000e+00> : vector<1024xf32>
    %reduce_sum3A_81 = vector.multi_reduction <add>, %exp3A_79, %reduce_sum3A_80 [0] : vector<500x1024xf32> to vector<1024xf32>
    %broadcast_in_dim3A_82 = vector.shape_cast %reduce_sum3A_81 : vector<1024xf32> to vector<1x1024xf32>
    %add3A_83 = arith.addf %add3A_60, %broadcast_in_dim3A_82 : vector<1x1024xf32>
    %iota3A_84 = tpu.iota {dimensions = array<i32: 0>} : vector<500x1024xi32>
    %add3A_85 = arith.constant 1000 : i32
    %add3A_86 = vector.broadcast %add3A_85 : i32 to vector<500x1024xi32>
    %add3A_87 = arith.addi %iota3A_84, %add3A_86 : vector<500x1024xi32>
    %eq3A_88 = vector.broadcast %sub3A_29 : vector<1x1024xi32> to vector<500x1024xi32>
    %eq3A_89 = arith.cmpi eq, %add3A_87, %eq3A_88 : vector<500x1024xi32>
    %jit3A_90 = arith.constant 0.000000e+00 : f32
    %broadcast_in_dim3A_91 = vector.broadcast %jit3A_90 : f32 to vector<500x1024xf32>
    %select_n3A_92 = arith.select %eq3A_89, %get3A_76, %broadcast_in_dim3A_91 : vector<500x1024xi1>, vector<500x1024xf32>
    %reduce_sum3A_93 = arith.constant dense<0.000000e+00> : vector<1024xf32>
    %reduce_sum3A_94 = vector.multi_reduction <add>, %select_n3A_92, %reduce_sum3A_93 [0] : vector<500x1024xf32> to vector<1024xf32>
    %broadcast_in_dim3A_95 = vector.shape_cast %reduce_sum3A_94 : vector<1024xf32> to vector<1x1024xf32>
    %add3A_96 = arith.addf %add3A_73, %broadcast_in_dim3A_95 : vector<1x1024xf32>
    %get3A_97 = arith.constant 1500 : index
    %get3A_98 = arith.constant 0 : index
    %get3A_99 = vector.load %arg2[%get3A_97, %get3A_98] : memref<2000x1024xf32, #tpu.memory_space<vmem>>, vector<500x1024xf32>
    %sub3A_100 = vector.broadcast %max3A_27 : vector<1x1024xf32> to vector<500x1024xf32>
    %sub3A_101 = arith.subf %get3A_99, %sub3A_100 : vector<500x1024xf32>
    %exp3A_102 = math.exp %sub3A_101 : vector<500x1024xf32>
    %reduce_sum3A_103 = arith.constant dense<0.000000e+00> : vector<1024xf32>
    %reduce_sum3A_104 = vector.multi_reduction <add>, %exp3A_102, %reduce_sum3A_103 [0] : vector<500x1024xf32> to vector<1024xf32>
    %broadcast_in_dim3A_105 = vector.shape_cast %reduce_sum3A_104 : vector<1024xf32> to vector<1x1024xf32>
    %add3A_106 = arith.addf %add3A_83, %broadcast_in_dim3A_105 : vector<1x1024xf32>
    %iota3A_107 = tpu.iota {dimensions = array<i32: 0>} : vector<500x1024xi32>
    %add3A_108 = arith.constant 1500 : i32
    %add3A_109 = vector.broadcast %add3A_108 : i32 to vector<500x1024xi32>
    %add3A_110 = arith.addi %iota3A_107, %add3A_109 : vector<500x1024xi32>
    %eq3A_111 = vector.broadcast %sub3A_29 : vector<1x1024xi32> to vector<500x1024xi32>
    %eq3A_112 = arith.cmpi eq, %add3A_110, %eq3A_111 : vector<500x1024xi32>
    %jit3A_113 = arith.constant 0.000000e+00 : f32
    %broadcast_in_dim3A_114 = vector.broadcast %jit3A_113 : f32 to vector<500x1024xf32>
    %select_n3A_115 = arith.select %eq3A_112, %get3A_99, %broadcast_in_dim3A_114 : vector<500x1024xi1>, vector<500x1024xf32>
    %reduce_sum3A_116 = arith.constant dense<0.000000e+00> : vector<1024xf32>
    %reduce_sum3A_117 = vector.multi_reduction <add>, %select_n3A_115, %reduce_sum3A_116 [0] : vector<500x1024xf32> to vector<1024xf32>
    %broadcast_in_dim3A_118 = vector.shape_cast %reduce_sum3A_117 : vector<1024xf32> to vector<1x1024xf32>
    %add3A_119 = arith.addf %add3A_96, %broadcast_in_dim3A_118 : vector<1x1024xf32>
    %get3A_120 = arith.constant 0 : index
    %get3A_121 = arith.constant 0 : index
    %get3A_122 = vector.load %arg5[%get3A_120, %get3A_121] : memref<1x1024xf32, #tpu.memory_space<vmem>>, vector<1x1024xf32>
    %max3A_123 = arith.maximumf %get3A_122, %max3A_27 : vector<1x1024xf32>
    %get3A_124 = arith.constant 0 : index
    %get3A_125 = arith.constant 0 : index
    %get3A_126 = vector.load %arg6[%get3A_124, %get3A_125] : memref<1x1024xf32, #tpu.memory_space<vmem>>, vector<1x1024xf32>
    %sub3A_127 = arith.subf %get3A_122, %max3A_123 : vector<1x1024xf32>
    %exp3A_128 = math.exp %sub3A_127 : vector<1x1024xf32>
    %mul3A_129 = arith.mulf %get3A_126, %exp3A_128 : vector<1x1024xf32>
    %sub3A_130 = arith.subf %max3A_27, %max3A_123 : vector<1x1024xf32>
    %exp3A_131 = math.exp %sub3A_130 : vector<1x1024xf32>
    %mul3A_132 = arith.mulf %add3A_106, %exp3A_131 : vector<1x1024xf32>
    %add3A_133 = arith.addf %mul3A_129, %mul3A_132 : vector<1x1024xf32>
    %get3A_134 = arith.constant 0 : index
    %get3A_135 = arith.constant 0 : index
    %get3A_136 = vector.load %arg7[%get3A_134, %get3A_135] : memref<1x1024xf32, #tpu.memory_space<vmem>>, vector<1x1024xf32>
    %add3A_137 = arith.addf %get3A_136, %add3A_119 : vector<1x1024xf32>
    %swap3A = arith.constant 0 : index
    %swap3A_138 = arith.constant 0 : index
    %swap3A_139 = vector.load %arg5[%swap3A, %swap3A_138] : memref<1x1024xf32, #tpu.memory_space<vmem>>, vector<1x1024xf32>
    tpu.vector_store %arg5[%swap3A, %swap3A_138], %max3A_123 {strides = array<i32>} : memref<1x1024xf32, #tpu.memory_space<vmem>>, vector<1x1024xf32>,
    %swap3A_140 = arith.constant 0 : index
    %swap3A_141 = arith.constant 0 : index
    %swap3A_142 = vector.load %arg6[%swap3A_140, %swap3A_141] : memref<1x1024xf32, #tpu.memory_space<vmem>>, vector<1x1024xf32>
    tpu.vector_store %arg6[%swap3A_140, %swap3A_141], %add3A_133 {strides = array<i32>} : memref<1x1024xf32, #tpu.memory_space<vmem>>, vector<1x1024xf32>,
    %swap3A_143 = arith.constant 0 : index
    %swap3A_144 = arith.constant 0 : index
    %swap3A_145 = vector.load %arg7[%swap3A_143, %swap3A_144] : memref<1x1024xf32, #tpu.memory_space<vmem>>, vector<1x1024xf32>
    tpu.vector_store %arg7[%swap3A_143, %swap3A_144], %add3A_137 {strides = array<i32>} : memref<1x1024xf32, #tpu.memory_space<vmem>>, vector<1x1024xf32>,
    %eq3A_146 = arith.constant 49 : i32
    %eq3A_147 = arith.cmpi eq, %arg0, %eq3A_146 : i32
    %convert_element_type3A_148 = arith.extui %eq3A_147 : i1 to i32
    %cond3A_149 = arith.constant 0 : i32
    %cond3A_150 = arith.cmpi ne, %convert_element_type3A_148, %cond3A_149 : i32
    scf.if %cond3A_150 {
      %log3A = math.log %add3A_133 : vector<1x1024xf32>
      %add3A_151 = arith.addf %max3A_123, %log3A : vector<1x1024xf32>
      %sub3A_152 = arith.subf %add3A_151, %add3A_137 : vector<1x1024xf32>
      %ne3A = arith.constant -1 : i32
      %ne3A_153 = vector.broadcast %ne3A : i32 to vector<1x1024xi32>
      %ne3A_154 = arith.cmpi ne, %get3A_1, %ne3A_153 : vector<1x1024xi32>
      %jit3A_155 = arith.constant 0.000000e+00 : f32
      %broadcast_in_dim3A_156 = vector.broadcast %jit3A_155 : f32 to vector<1x1024xf32>
      %select_n3A_157 = arith.select %ne3A_154, %sub3A_152, %broadcast_in_dim3A_156 : vector<1x1024xi1>, vector<1x1024xf32>
      %reshape3A = vector.shape_cast %select_n3A_157 : vector<1x1024xf32> to vector<1024xf32>
      %swap3A_158 = arith.constant 0 : index
      %swap3A_159 = vector.load %arg3[%swap3A_158] : memref<1024xf32, #tpu.memory_space<vmem>>, vector<1024xf32>
      tpu.vector_store %arg3[%swap3A_158], %reshape3A {strides = array<i32>} : memref<1024xf32, #tpu.memory_space<vmem>>, vector<1024xf32>,
      %bitcast_convert_type3A = tpu.bitcast %select_n3A_157 : vector<1x1024xf32> -> vector<1x1024xi32>
      %shift_right_arithmetic3A = arith.constant 31 : i32
      %shift_right_arithmetic3A_160 = vector.broadcast %shift_right_arithmetic3A : i32 to vector<1x1024xi32>
      %shift_right_arithmetic3A_161 = arith.shrsi %bitcast_convert_type3A, %shift_right_arithmetic3A_160 : vector<1x1024xi32>
      %and3A = arith.constant 2147483647 : i32
      %and3A_162 = vector.broadcast %and3A : i32 to vector<1x1024xi32>
      %and3A_163 = arith.andi %shift_right_arithmetic3A_161, %and3A_162 : vector<1x1024xi32>
      %xor3A = arith.xori %bitcast_convert_type3A, %and3A_163 : vector<1x1024xi32>
      %reshape3A_164 = vector.shape_cast %xor3A : vector<1x1024xi32> to vector<1024xi32>
      %swap3A_165 = arith.constant 0 : index
      %swap3A_166 = vector.load %arg4[%swap3A_165] : memref<1024xi32, #tpu.memory_space<vmem>>, vector<1024xi32>
      tpu.vector_store %arg4[%swap3A_165], %reshape3A_164 {strides = array<i32>} : memref<1024xi32, #tpu.memory_space<vmem>>, vector<1024xi32>,
    } else {
    }
    return
  }
  func.func @transform_0(%arg0: i32) -> (i32, i32) {
    %c0_i32 = arith.constant 0 : i32
    %c0_i32_0 = arith.constant 0 : i32
    %c0_i32_1 = arith.constant 0 : i32
    return %c0_i32, %c0_i32_0 : i32, i32
  }
  func.func @transform_1(%arg0: i32) -> (i32, i32) {
    %c0_i32 = arith.constant 0 : i32
    %c0_i32_0 = arith.constant 0 : i32
    return %arg0, %c0_i32 : i32, i32
  }
  func.func @transform_2(%arg0: i32) -> i32 {
    %c0_i32 = arith.constant 0 : i32
    %c0_i32_0 = arith.constant 0 : i32
    return %c0_i32 : i32
  }
  func.func @transform_3(%arg0: i32) -> i32 {
    %c0_i32 = arith.constant 0 : i32
    %c0_i32_0 = arith.constant 0 : i32
    return %c0_i32 : i32
  }
}

</mosaic_0001>

<sc_bundles>
// kernel: kernel.4.cloned.1.call-start
scs
__scs_entry_jumppad:
0x0: {  	(pc) =	sbr.rel $0x88, $3  }
0x1: {  	(tag) =	ssettag $0x0;
	lr =	simm.s32 $0x1  }
0x2: {  	[smem:$0x3F9F] =	sst lr;
	_ =	strace $0xD0000000  }
0x3: {  	_ = 	snop  }
0x4: {  	_ = 	snop  }
0x5: {  	_ = 	snop  }
0x6: {  	_ = 	snop  }
0x7: {  	_ = 	snop  }
__scs_overlays_trampoline_lowered:
0x8: {  	[smem:$0x3FAE] =	sst s0  }
0x9: {  	[smem:$0x3FAF] =	sst s1  }
0xa: {  	[smem:$0x3FB0] =	sst s2  }
0xb: {  	[smem:$0x3FB1] =	sst s3  }
0xc: {  	[smem:$0x3FB2] =	sst s4  }
0xd: {  	[smem:$0x3FB3] =	sst s5  }
0xe: {  	[smem:$0x3FB4] =	sst s6  }
0xf: {  	[smem:$0x3FB5] =	sst s7  }
0x10: {  	[smem:$0x3FB6] =	sst s8  }
0x11: {  	[smem:$0x3FB7] =	sst s9;
	s0 =	simm.s32 @!p0 $0x0  }
0x12: {  	s1 =	sld [smem:$0x3F9D];
	s0 =	simm.s32 @p0 $0x1  }
0x13: {  	[smem:$0x3FB8] =	sst s0;
	s0 =	simm.s32 @!p1 $0x0  }
0x14: {  	s2 =	sld [smem:$0x3F9C];
	s0 =	simm.s32 @p1 $0x1  }
0x15: {  	[smem:$0x3FB9] =	sst s0;
	s0 =	simm.s32 @!p2 $0x0  }
0x16: {  	s3 =	sld [smem:$0x3FDB];
	s0 =	simm.s32 @p2 $0x1  }
0x17: {  	s4 =	simm.s32 $0x1BF5;
	[smem:$0x3FBB] =	sst s0  }
0x18: {  	s0 =	sld [smem:$0x3F9E];
	_ =	swait.ge [sflag:s4], $0x0  }
0x19: {  	s7 =	sld [smem:$0x3F9F]  }
0x1a: {  	s8 =	sadd.s32 $0xFFFFE003, lr  }
0x1b: {  	s9 =	sadd.s32 $0xFFFFFEF7, lr;
	s5 =	simm.s32 $0xFFFFFFFF;
	p2 =	slt.u32 s8, $0xFFFFF086  }
0x1c: {  	p1 =	slt.u32 s9, $0xF7A;
	s5 =	simm.s32 @!p2 $0x0  }
0x1d: {  	s5 =	simm.s32 @p1 $0x1;
	p0 =	seq.s32 s7, s2  }
0x1e: {  	s7 =	smul.u32 @!p0 $0xF7A, s2;
	p2 =	seq.s32 @!p0 s5, $0x0  }
0x1f: {  	s9 =	smul.u32 $0xF7A, s1;
	s8 =	simm.s32 @!p0 $0x1BF5;
	p2 =	por !p2, p0  }
0x20: {  	[sflag:s8] =	ssyncset.s32 @!p0 $0xFFFFF086;
	s6 =	sadd.s32 @!p0 s3, s7;
	s7 =	simm.s32 @!p0 $0x108  }
0x21: {  	s3 =	sadd.s32 s3, s9;
	s6 =	sadd.s32 @!p0 $0x88, s6;
	s7 =	simm.s32 @p2 $0x1082  }
0x22: {  	[simem:s7], [sflag:s8] =	dma.local @!p0 [hbm:s6], $0xF7A  }
0x23: {  	s9 =	sor.u32 $0xD0000000, s2;
	s6 =	simm.s32 $0x108;
	_ =	swait.ge @!p0 [sflag:s8], $0x0  }
0x24: {  	s3 =	sadd.s32 $0x88, s3;
	s6 =	simm.s32 @!p1 $0x1082;
	[sflag:s4] =	ssyncset.s32 $0xFFFFF086  }
0x25: {  	[simem:s6], [sflag:s4] =	dma.local [hbm:s3], $0xF7A  }
0x26: {  	[smem:$0x3F9F] =	sst s1;
	(tag) =	ssettag s2;
	_ =	strace s9  }
0x27: {  	s1 =	sld [smem:$0x3FAF]  }
0x28: {  	s2 =	sld [smem:$0x3FB0]  }
0x29: {  	s4 =	sld [smem:$0x3FB2]  }
0x2a: {  	p0 =	seq.s32 s5, $0x0;
	s5 =	sld [smem:$0x3FB3]  }
0x2b: {  	s6 =	sld [smem:$0x3FB4]  }
0x2c: {  	s7 =	sld [smem:$0x3FB5]  }
0x2d: {  	s3 =	simm.s32 $0x108;
	s8 =	sld [smem:$0x3FB6]  }
0x2e: {  	s3 =	simm.s32 @!p0 $0x1082;
	s9 =	sld [smem:$0x3FB7]  }
0x2f: {  	lr =	sadd.s32 s0, s3;
	s0 =	sld [smem:$0x3FAE]  }
0x30: {  	s3 =	sld [smem:$0x3FB1]  }
0x31: {  	[smem:$0x3FBA] =	sst s10  }
0x32: {  	s10 =	sld [smem:$0x3FB8];
	_ =	sdelay $0x3  }
0x33: {  	p0 =	seq.s32 s10, $0x1;
	s10 =	sld [smem:$0x3FBA];
	_ =	sdelay $0x3  }
0x34: {  	[smem:$0x3FBA] =	sst s10  }
0x35: {  	s10 =	sld [smem:$0x3FB9];
	_ =	sdelay $0x3  }
0x36: {  	p1 =	seq.s32 s10, $0x1;
	s10 =	sld [smem:$0x3FBA];
	_ =	sdelay $0x3  }
0x37: {  	[smem:$0x3FBA] =	sst s10  }
0x38: {  	s10 =	sld [smem:$0x3FBB]  }
0x39: {  	_ = 	snop;
	(pc) =	sbr.ind lr, $3  }
0x3a: {  	_ = 	snop  }
0x3b: {  	_ = 	snop  }
0x3c: {  	p2 =	seq.s32 s10, $0x1;
	s10 =	sld [smem:$0x3FBA]  }
0x3d: {  	_ =	shalt  }
0x3e: {  	_ =	shalt  }
0x3f: {  	_ =	shalt  }
0x40: {  	_ =	shalt  }
0x41: {  	_ =	shalt  }
0x42: {  	_ =	shalt  }
0x43: {  	_ =	shalt  }
0x44: {  	_ =	shalt  }
0x45: {  	_ =	shalt  }
0x46: {  	_ =	shalt  }
0x47: {  	_ =	shalt  }
0x48: {  	_ =	shalt  }
0x49: {  	_ =	shalt  }
0x4a: {  	_ =	shalt  }
0x4b: {  	_ =	shalt  }
0x4c: {  	_ =	shalt  }
0x4d: {  	_ =	shalt  }
0x4e: {  	_ =	shalt  }
0x4f: {  	_ =	shalt  }
0x50: {  	_ =	shalt  }
0x51: {  	_ =	shalt  }
0x52: {  	_ =	shalt  }
0x53: {  	_ =	shalt  }
0x54: {  	_ =	shalt  }
0x55: {  	_ =	shalt  }
0x56: {  	_ =	shalt  }
0x57: {  	_ =	shalt  }
0x58: {  	_ =	shalt  }
0x59: {  	_ =	shalt  }
0x5a: {  	_ =	shalt  }
0x5b: {  	_ =	shalt  }
0x5c: {  	_ =	shalt  }
0x5d: {  	_ =	shalt  }
0x5e: {  	_ =	shalt  }
0x5f: {  	_ =	shalt  }
0x60: {  	_ =	shalt  }
0x61: {  	_ =	shalt  }
0x62: {  	_ =	shalt  }
0x63: {  	_ =	shalt  }
0x64: {  	_ =	shalt  }
0x65: {  	_ =	shalt  }
0x66: {  	_ =	shalt  }
0x67: {  	_ =	shalt  }
0x68: {  	_ =	shalt  }
0x69: {  	_ =	shalt  }
0x6a: {  	_ =	shalt  }
0x6b: {  	_ =	shalt  }
0x6c: {  	_ =	shalt  }
0x6d: {  	_ =	shalt  }
0x6e: {  	_ =	shalt  }
0x6f: {  	_ =	shalt  }
0x70: {  	_ =	shalt  }
0x71: {  	_ =	shalt  }
0x72: {  	_ =	shalt  }
0x73: {  	_ =	shalt  }
0x74: {  	_ =	shalt  }
0x75: {  	_ =	shalt  }
0x76: {  	_ =	shalt  }
0x77: {  	_ =	shalt  }
0x78: {  	_ =	shalt  }
0x79: {  	_ =	shalt  }
0x7a: {  	_ =	shalt  }
0x7b: {  	_ =	shalt  }
0x7c: {  	_ =	shalt  }
0x7d: {  	_ =	shalt  }
0x7e: {  	_ =	shalt  }
0x7f: {  	_ =	shalt  }
0x80: {  	_ =	shalt  }
0x81: {  	_ =	shalt  }
0x82: {  	_ =	shalt  }
0x83: {  	_ =	shalt  }
0x84: {  	_ =	shalt  }
0x85: {  	_ =	shalt  }
0x86: {  	_ =	shalt  }
0x87: {  	_ =	shalt  }
.Lfunc_end0:
.L_simem_size_0:
called_computation_lowered:
.L_overlay_start_0:
0x88: {  	s2 =	sld [smem:$0x3FD9]  }
0x89: {  	s3 =	sld [smem:$0x3FFE];
	_ =	sdelay $0x1  }
0x8a: {  	s1 =	srdreg.scid  }
0x8b: {  	s0 =	sand.u32 $0x1, s1  }
0x8c: {  	s17 =	sshll.u32 s0, $0xA;
	s2 =	sadd.s32 s3, s2  }
0x8d: {  	s2 =	sadd.s32 s2, s17  }
0x8e: {  	[smem:$0x3FC6] =	sst s2  }
0x8f: {  	_ = 	snop  }
0x90: {  	s2 =	sld [smem:$0x3FD0];
	(tm) =	ssettm $0x1  }
0x91: {  	s18 =	sld [smem:$0x3FFB];
	_ =	sdelay $0x3  }
0x92: {  	_ =	strace s18  }
0x93: {  	s3 =	sld [smem:$0x3FFC];
	_ =	sdelay $0x3  }
0x94: {  	_ =	strace s3  }
0x95: {  	s3 =	sld [smem:$0x3FFD];
	_ =	sdelay $0x3  }
0x96: {  	_ =	strace s3  }
0x97: {  	_ =	strace $0x8FFFFFFF  }
0x98: {  	s19 =	sld [smem:$0x3FDB];
	_ =	sdelay $0x1  }
0x99: {  	s4 =	simm.s32 $_scs_section_size  }
0x9a: {  	s5 =	simm.s32 $_size__tile_overlayer_lowered;
	s6 =	simm.s32 $_tile_overlayer_lowered  }
0x9b: {  	s22 =	simm.s32 $0x1BFF;
	s21 =	sshll.u32 s6, $0x1;
	s3 =	sadd.s32 s4, s19  }
0x9c: {  	s7 =	simm.s32 $0x0;
	s20 =	sshll.u32 s5, $0x1;
	s5 =	sadd.s32 s21, s3  }
0x9d: {  	[timem:s7], [sflag:s22] =	dma.local [hbm:s5], s20  }
0x9e: {  	_ =	swait.ge [sflag:s22], s20  }
0x9f: {  	s4 =	ssub.s32 $0x0, s20;
	[sflag:s22] =	ssyncset.done $0x0  }
0xa0: {  	[sflag:s22] =	ssyncadd.s32 s4;
	_ =	sdelay $0x1  }
0xa1: {  	s23 =	simm.s32 $0x1B8B  }
0xa2: {  	_ =	swait.ge [sflag:s23], $0x1  }
0xa3: {  	[sflag:s23] =	ssyncset.done $0x0  }
0xa4: {  	s25 =	simm.s32 $0x1B8E;
	s24 =	sld [smem:$0x3FFE];
	[sflag:s23] =	ssyncadd.s32 $0xFFFFFFFF  }
0xa5: {  	s26 =	simm.s32 $execute0_lowered;
	[smem:$0x3FD2] =	sst s25  }
0xa6: {  	s5 =	sshll.u32 s26, $0x1;
	_ =	strace $0x80000046;
	[dreg:$0x1] =	wrdreg $0xFFFFFFFF  }
0xa7: {  	s28 =	simm.s32 $_size_execute0_lowered;
	s3 =	sadd.s32 s3, s5;
	[dreg:$0x0] =	wrdreg $0x0  }
0xa8: {  	s5 =	sshll.u32 s28, $0x1;
	[dreg:$0x2] =	wrdreg s3  }
0xa9: {  	[dreg:$0x3] =	wrdreg s5  }
0xaa: {  	[dreg:$0x4] =	wrdreg $0xC0  }
0xab: {  	_ =	task [dreg:s7], $0x5FFFF  }
0xac: {  	[dreg:$0x1] =	wrdreg $0xFFFFFFFF  }
0xad: {  	[dreg:$0x0] =	wrdreg $0x60  }
0xae: {  	[dreg:$0x2] =	wrdreg s24  }
0xaf: {  	[dreg:$0x3] =	wrdreg s2  }
0xb0: {  	[dreg:$0x4] =	wrdreg $0x9  }
0xb1: {  	_ =	task.clear_ibuf [dreg:s7], $0x5FFFF;
	_ =	strace $0x90000046  }
0xb2: {  	s29 =	simm.s32 $0x9;
	_ =	strace $0x80000048  }
0xb3: {  	_ =	swait.ge [sflag:s29], $0x1  }
0xb4: {  	[sflag:s29] =	ssyncadd.s32 $0xFFFFFFFF  }
0xb5: {  	_ =	strace $0x90000048  }
0xb6: {  	_ =	sfence  }
0xb7: {  	s30 =	sld [smem:$0x0];
	_ =	sdelay $0x2  }
0xb8: {  	s31 =	sshll.u32 s1, $0xD;
	s1 =	sshrl.u32 s1, $0x2  }
0xb9: {  	s3 =	sand.u32 $0x4000, s31;
	s1 =	sadd.s32 s1, s30  }
0xba: {  	s0 =	sor.u32 s3, s0;
	s1 =	sshll.u32 s1, $0x11  }
0xbb: {  	s0 =	sor.u32 s1, s0  }
0xbc: {  	s0 =	sadd.s32 $0x8F2B, s0  }
0xbd: {  	[sflag:s0] =	ssyncadd.remote.s32 $0x1  }
0xbe: {  	_ =	sfence.sel $0xFFFF  }
0xbf: {  	[dreg:$0x0] =	wrdreg $0xFFFFFFFF;
	(pc) =	sbr.abs _section_cstart, $3  }
0xc0: {  	[dreg:$0x1] =	wrdreg $0xFFFFFFFF  }
0xc1: {  	_ =	task.clear_ibuf [dreg:s7], $0x2FFFF;
	_ =	strace $0x9FFFFFFF  }
0xc2: {  	(tm) =	ssettm $0x7FFFFFFF  }
0xc3: {  	_ =	shalt  }
tec
execute0_lowered:
.L_overlay_start_1:
0x0: {  	(tag) =	ssettag $0x1  }
0x1: {  	s4 =	rddreg [dreg:$0x0]  }
0x2: {  	s1 =	rddreg [dreg:$0x1]  }
0x3: {  	s0 =	rddreg [dreg:$0x2];
	_ =	strace $0x80000047;
	v0 =	vimm.f32 $1.024000000e+03  }
0x4: {  	(erf) = vrcp.f32 v0;
	v0 =	vimm.f32 $3.070000000e+02  }
0x5: {  	(erf) = vrcp.f32 v0  }
0x6: {  	s2 =	srdreg.scid  }
0x7: {  	s3 =	sand.u32 $0x1, s2;
	s2 =	stileid.u32  }
0x8: {  	s5 =	sshll.u32 s2, $0x1;
	s6 =	ssub.s32 $0x0, s3  }
0x9: {  	p0 =	sne.s32 s5, s6  }
.Ltmp0:
0xa: {  	_ = 	snop;
	(pc) =	sbr.rel @p0 .LBB2_9-.Ltmp0, $3  }
0xb: {  	_ =	sdelay $0x1  }
0xc: {  	v0 =	vpop (erf)  }
0xd: {  	v1 =	vpop (erf)  }
0xe: {  	v2 =	vimm.s32 $0xFEDCBA98;
	v3 =	vimm.s32 $0x76543210  }
0xf: {  	v5 =	vimm.s32 $0xBA987654;
	v6 =	vimm.s32 $0x10FEDCBA;
	v7 =	vimm.s32 $0x98765432  }
0x10: {  	v8 =	vimm.s32 $0xFEDCBA9;
	v9 =	vimm.s32 $0x87654321;
	v2 =	vunpack.c.l.s4.s8 v2  }
0x11: {  	v3 =	vunpack.c.l.s4.s8 v3;
	v5 =	vunpack.c.l.s4.s8 v5;
	v6 =	vunpack.c.l.s4.s8 v6  }
0x12: {  	v7 =	vunpack.c.l.s4.s8 v7;
	v4 =	vunpack.c.0.s8.s32 v2;
	v2 =	vimm.s32 $0x3210FEDC  }
0x13: {  	v8 =	vunpack.c.l.s4.s8 v8;
	v9 =	vunpack.c.l.s4.s8 v9;
	v2 =	vunpack.c.l.s4.s8 v2  }
0x14: {  	v5 =	vunpack.c.0.s8.s32 v5;
	v6 =	vunpack.c.0.s8.s32 v6;
	v7 =	vunpack.c.0.s8.s32 v7  }
0x15: {  	v8 =	vunpack.c.0.s8.s32 v8;
	v9 =	vunpack.c.0.s8.s32 v9;
	v2 =	vunpack.c.0.s8.s32 v2  }
0x16: {  	s5 =	ssub.s32 $0x2, s3;
	s3 =	sadd.s32 $0xC00, s4;
	v10 =	vunpack.c.0.s8.s32 v3;
	v3 =	vcombine.low v7, v6  }
0x17: {  	s4 =	sadd.s32 $0xE00, s4;
	s7 =	simm.s32 $0x1;
	s6 =	sshrl.u32 s5, $0x1;
	v2 =	vcombine.low v5, v2;
	v5 =	vand.u32 $0xF, v4;
	v4 =	vcombine.low v9, v8  }
0x18: {  	s8 =	simm.s32 $0x400;
	s9 =	simm.s32 $0x0;
	s5 =	ssub.s32 s5, s6;
	v6 =	vimm.s32 $0x1;
	v7 =	vimm.s32 $0x0;
	v9 =	vand.u32 $0xF, v3  }
0x19: {  	s13 =	simm.s32 $0x0;
	s6 =	simm.s32 $0x0;
	s5 =	smax.u32 s5, $0x1;
	v5 =	vcombine.low v5, v10;
	v8 =	vand.u32 $0xF, v2;
	v10 =	vand.u32 $0xF, v4  }
.LBB2_2:
0x1a: {  	[tilespmem:s6], [sflag:$0x1] =	stream.linear.gather [hbm4b:s3+s6], $0x400, $0x38;
	[tilespmem:$0x800] =	vst v63  }
0x1b: {  	_ =	swait.ge [sflag:s7], $0x400  }
0x1c: {  	[sflag:s7] =	ssyncset.done $0x0  }
0x1d: {  	[sflag:s7] =	ssyncadd.s32 $0xFFFFFC00  }
0x1e: {  	[tilespmem:s8], [sflag:$0x1] =	stream.linear.gather [hbm4b:s4+s6], $0x400, $0x38;
	[tilespmem:$0x800] =	vst v63  }
0x1f: {  	_ =	swait.ge [sflag:s7], $0x400  }
0x20: {  	[sflag:s7] =	ssyncset.done $0x0  }
0x21: {  	[sflag:s7] =	ssyncadd.s32 $0xFFFFFC00  }
0x22: {  	v11 =	vld [tilespmem:$0x0];
	_ =	sdelay $0x1  }
0x23: {  	v12 =	vld [tilespmem:$0x10];
	_ =	sdelay $0x1  }
0x24: {  	v13 =	vld [tilespmem:$0x20]  }
0x25: {  	v11 =	vadd.f32 $0.0e+00, v11  }
0x26: {  	v14 =	vld [tilespmem:$0x30]  }
0x27: {  	v11 =	vadd.f32 v12, v11  }
0x28: {  	v12 =	vld [tilespmem:$0x40]  }
0x29: {  	v11 =	vadd.f32 v13, v11  }
0x2a: {  	v13 =	vld [tilespmem:$0x50]  }
0x2b: {  	v11 =	vadd.f32 v14, v11  }
0x2c: {  	v14 =	vld [tilespmem:$0x60]  }
0x2d: {  	v11 =	vadd.f32 v12, v11  }
0x2e: {  	v12 =	vld [tilespmem:$0x70]  }
0x2f: {  	v11 =	vadd.f32 v13, v11  }
0x30: {  	v13 =	vld [tilespmem:$0x80]  }
0x31: {  	v11 =	vadd.f32 v14, v11  }
0x32: {  	v14 =	vld [tilespmem:$0x90]  }
0x33: {  	v11 =	vadd.f32 v12, v11  }
0x34: {  	v12 =	vld [tilespmem:$0xA0]  }
0x35: {  	v11 =	vadd.f32 v13, v11  }
0x36: {  	v13 =	vld [tilespmem:$0xB0]  }
0x37: {  	v11 =	vadd.f32 v14, v11  }
0x38: {  	v14 =	vld [tilespmem:$0xC0]  }
0x39: {  	v11 =	vadd.f32 v12, v11  }
0x3a: {  	v12 =	vld [tilespmem:$0xD0]  }
0x3b: {  	v11 =	vadd.f32 v13, v11  }
0x3c: {  	v13 =	vld [tilespmem:$0xE0]  }
0x3d: {  	v11 =	vadd.f32 v14, v11  }
0x3e: {  	v14 =	vld [tilespmem:$0xF0]  }
0x3f: {  	v11 =	vadd.f32 v12, v11  }
0x40: {  	v12 =	vld [tilespmem:$0x100]  }
0x41: {  	v11 =	vadd.f32 v13, v11  }
0x42: {  	v13 =	vld [tilespmem:$0x110]  }
0x43: {  	v11 =	vadd.f32 v14, v11  }
0x44: {  	v14 =	vld [tilespmem:$0x120]  }
0x45: {  	v11 =	vadd.f32 v12, v11  }
0x46: {  	v12 =	vld [tilespmem:$0x130]  }
0x47: {  	v11 =	vadd.f32 v13, v11  }
0x48: {  	v13 =	vld [tilespmem:$0x140]  }
0x49: {  	v11 =	vadd.f32 v14, v11  }
0x4a: {  	v14 =	vld [tilespmem:$0x150]  }
0x4b: {  	v11 =	vadd.f32 v12, v11  }
0x4c: {  	v12 =	vld [tilespmem:$0x160]  }
0x4d: {  	v11 =	vadd.f32 v13, v11  }
0x4e: {  	v13 =	vld [tilespmem:$0x170]  }
0x4f: {  	v11 =	vadd.f32 v14, v11  }
0x50: {  	v14 =	vld [tilespmem:$0x180]  }
0x51: {  	v11 =	vadd.f32 v12, v11  }
0x52: {  	v12 =	vld [tilespmem:$0x190]  }
0x53: {  	v11 =	vadd.f32 v13, v11  }
0x54: {  	v13 =	vld [tilespmem:$0x1A0]  }
0x55: {  	v11 =	vadd.f32 v14, v11  }
0x56: {  	v14 =	vld [tilespmem:$0x1B0]  }
0x57: {  	v11 =	vadd.f32 v12, v11  }
0x58: {  	v12 =	vld [tilespmem:$0x1C0]  }
0x59: {  	v11 =	vadd.f32 v13, v11  }
0x5a: {  	v13 =	vld [tilespmem:$0x1D0]  }
0x5b: {  	v11 =	vadd.f32 v14, v11  }
0x5c: {  	v14 =	vld [tilespmem:$0x1E0]  }
0x5d: {  	v11 =	vadd.f32 v12, v11  }
0x5e: {  	v12 =	vld [tilespmem:$0x1F0]  }
0x5f: {  	v11 =	vadd.f32 v13, v11  }
0x60: {  	v13 =	vld [tilespmem:$0x200]  }
0x61: {  	v11 =	vadd.f32 v14, v11  }
0x62: {  	v14 =	vld [tilespmem:$0x210]  }
0x63: {  	v11 =	vadd.f32 v12, v11  }
0x64: {  	v12 =	vld [tilespmem:$0x220]  }
0x65: {  	v11 =	vadd.f32 v13, v11  }
0x66: {  	v13 =	vld [tilespmem:$0x230]  }
0x67: {  	v11 =	vadd.f32 v14, v11  }
0x68: {  	v14 =	vld [tilespmem:$0x240]  }
0x69: {  	v11 =	vadd.f32 v12, v11  }
0x6a: {  	v12 =	vld [tilespmem:$0x250]  }
0x6b: {  	v11 =	vadd.f32 v13, v11  }
0x6c: {  	v13 =	vld [tilespmem:$0x260]  }
0x6d: {  	v11 =	vadd.f32 v14, v11  }
0x6e: {  	v14 =	vld [tilespmem:$0x270]  }
0x6f: {  	v11 =	vadd.f32 v12, v11  }
0x70: {  	v12 =	vld [tilespmem:$0x280]  }
0x71: {  	v11 =	vadd.f32 v13, v11  }
0x72: {  	v13 =	vld [tilespmem:$0x290]  }
0x73: {  	v11 =	vadd.f32 v14, v11  }
0x74: {  	v14 =	vld [tilespmem:$0x2A0]  }
0x75: {  	v11 =	vadd.f32 v12, v11  }
0x76: {  	v12 =	vld [tilespmem:$0x2B0]  }
0x77: {  	v11 =	vadd.f32 v13, v11  }
0x78: {  	v13 =	vld [tilespmem:$0x2C0]  }
0x79: {  	v11 =	vadd.f32 v14, v11  }
0x7a: {  	v14 =	vld [tilespmem:$0x2D0]  }
0x7b: {  	v11 =	vadd.f32 v12, v11  }
0x7c: {  	v12 =	vld [tilespmem:$0x2E0]  }
0x7d: {  	v11 =	vadd.f32 v13, v11  }
0x7e: {  	v13 =	vld [tilespmem:$0x2F0]  }
0x7f: {  	v11 =	vadd.f32 v14, v11  }
0x80: {  	v14 =	vld [tilespmem:$0x300]  }
0x81: {  	v11 =	vadd.f32 v12, v11  }
0x82: {  	v12 =	vld [tilespmem:$0x310]  }
0x83: {  	v11 =	vadd.f32 v13, v11  }
0x84: {  	v13 =	vld [tilespmem:$0x320]  }
0x85: {  	v11 =	vadd.f32 v14, v11  }
0x86: {  	v14 =	vld [tilespmem:$0x330]  }
0x87: {  	v11 =	vadd.f32 v12, v11  }
0x88: {  	v12 =	vld [tilespmem:$0x340]  }
0x89: {  	v11 =	vadd.f32 v13, v11  }
0x8a: {  	v13 =	vld [tilespmem:$0x350]  }
0x8b: {  	v11 =	vadd.f32 v14, v11  }
0x8c: {  	v14 =	vld [tilespmem:$0x360]  }
0x8d: {  	v11 =	vadd.f32 v12, v11  }
0x8e: {  	v12 =	vld [tilespmem:$0x370]  }
0x8f: {  	v11 =	vadd.f32 v13, v11  }
0x90: {  	v13 =	vld [tilespmem:$0x380]  }
0x91: {  	v11 =	vadd.f32 v14, v11  }
0x92: {  	v14 =	vld [tilespmem:$0x390]  }
0x93: {  	v11 =	vadd.f32 v12, v11  }
0x94: {  	v12 =	vld [tilespmem:$0x3A0]  }
0x95: {  	v11 =	vadd.f32 v13, v11  }
0x96: {  	v13 =	vld [tilespmem:$0x3B0]  }
0x97: {  	v11 =	vadd.f32 v14, v11  }
0x98: {  	v14 =	vld [tilespmem:$0x3C0]  }
0x99: {  	v11 =	vadd.f32 v12, v11  }
0x9a: {  	v12 =	vld [tilespmem:$0x3D0]  }
0x9b: {  	v11 =	vadd.f32 v13, v11  }
0x9c: {  	v13 =	vld [tilespmem:$0x3E0]  }
0x9d: {  	v11 =	vadd.f32 v14, v11  }
0x9e: {  	v14 =	vld [tilespmem:$0x3F0]  }
0x9f: {  	v11 =	vadd.f32 v12, v11;
	_ =	sdelay $0x1  }
0xa0: {  	v11 =	vadd.f32 v13, v11;
	_ =	sdelay $0x1  }
0xa1: {  	v11 =	vadd.f32 v14, v11;
	_ =	sdelay $0x1  }
0xa2: {  	v12 =	vperm.xlane v11, v5;
	_ =	sdelay $0x1  }
0xa3: {  	v11 =	vadd.f32 v12, v11;
	_ =	sdelay $0x1  }
0xa4: {  	v12 =	vperm.xlane v11, v2;
	_ =	sdelay $0x1  }
0xa5: {  	v11 =	vadd.f32 v12, v11;
	_ =	sdelay $0x1  }
0xa6: {  	v12 =	vperm.xlane v11, v3;
	_ =	sdelay $0x1  }
0xa7: {  	v11 =	vadd.f32 v12, v11;
	_ =	sdelay $0x1  }
0xa8: {  	s10 =	simm.s32 $0x0;
	v13 =	vimm.s32 $0x0;
	v12 =	vperm.xlane v11, v4  }
.LBB2_3:
0xa9: {  	v14 =	vmov s10  }
0xaa: {  	v14 =	vsub.s32 $0x1F, v14  }
0xab: {  	v16 =	vld [tilespmem:s13+$0x400];
	v14 =	vshll.u32 v6, v14  }
0xac: {  	v18 =	vld [tilespmem:s13+$0x410];
	v14 =	vbroadcast v14, $0x0  }
0xad: {  	v20 =	vld [tilespmem:s13+$0x420]  }
0xae: {  	v19 =	vld [tilespmem:s13+$0x430];
	v14 =	vor.u32 v13, v14  }
0xaf: {  	v17 =	vld [tilespmem:s13+$0x440];
	v15 =	vxor.u32 $0x80000000, v14  }
0xb0: {  	vm0 =	vge.s32 v16, v15;
	v16 =	vld [tilespmem:s13+$0x450]  }
0xb1: {  	v21 =	vimm.s32 $0x0;
	v22 =	vsel vm0, $0x1, v7;
	vm0 =	vge.s32 v18, v15;
	v18 =	vld [tilespmem:s13+$0x460]  }
0xb2: {  	s11 =	simm.s32 $0x80;
	s12 =	simm.s32 $0x400;
	v21 =	vadd.s32 v22, v21;
	v22 =	vsel vm0, $0x1, v7;
	vm0 =	vge.s32 v20, v15;
	v20 =	vld [tilespmem:s13+$0x470]  }
.LBB2_4:
0xb3: {  	p0 =	sne.s32 s12, $0xE00;
	v23 =	vld [tilespmem:s11+$0x400];
	v21 =	vadd.s32 v22, v21;
	v22 =	vsel vm0, $0x1, v7;
	vm0 =	vge.s32 v19, v15  }
0xb4: {  	v24 =	vld [tilespmem:s11+$0x410];
	v19 =	vadd.s32 v22, v21;
	v21 =	vsel vm0, $0x1, v7;
	vm0 =	vge.s32 v17, v15  }
0xb5: {  	v25 =	vld [tilespmem:s11+$0x420];
	v17 =	vadd.s32 v21, v19;
	v21 =	vsel vm0, $0x1, v7;
	vm0 =	vge.s32 v16, v15  }
.Ltmp1:
0xb6: {  	v19 =	vld [tilespmem:s11+$0x430];
	v16 =	vadd.s32 v21, v17;
	v21 =	vsel vm0, $0x1, v7;
	vm0 =	vge.s32 v18, v15;
	(pc) =	sbr.rel @p0 .LBB2_4-.Ltmp1, $4  }
0xb7: {  	v17 =	vld [tilespmem:s11+$0x440];
	v18 =	vadd.s32 v21, v16;
	v21 =	vsel vm0, $0x1, v7;
	vm0 =	vge.s32 v20, v15  }
0xb8: {  	vm1 =	vge.s32 v23, v15;
	v16 =	vld [tilespmem:s11+$0x450];
	v20 =	vadd.s32 v21, v18;
	v21 =	vsel vm0, $0x1, v7  }
0xb9: {  	v22 =	vsel vm1, $0x1, v7;
	vm0 =	vge.s32 v24, v15;
	v18 =	vld [tilespmem:s11+$0x460];
	v20 =	vadd.s32 v21, v20  }
0xba: {  	v21 =	vadd.s32 v22, v20;
	v22 =	vsel vm0, $0x1, v7;
	vm0 =	vge.s32 v25, v15;
	v20 =	vld [tilespmem:s11+$0x470];
	s11 =	sshra.s32 s12, $0x2;
	s12 =	sadd.s32 $0x200, s12  }
0xbb: {  	v23 =	vld [tilespmem:s11+$0x400];
	v21 =	vadd.s32 v22, v21;
	v44 =	vsel vm0, $0x1, v7;
	vm15 =	vge.s32 v19, v15  }
0xbc: {  	v45 =	vld [tilespmem:s11+$0x410];
	v21 =	vadd.s32 v44, v21;
	v46 =	vsel vm15, $0x1, v7;
	vm4 =	vge.s32 v17, v15  }
0xbd: {  	v47 =	vld [tilespmem:s11+$0x420];
	v21 =	vadd.s32 v46, v21;
	v48 =	vsel vm4, $0x1, v7;
	vm5 =	vge.s32 v16, v15  }
0xbe: {  	v49 =	vld [tilespmem:s11+$0x430];
	v21 =	vadd.s32 v48, v21;
	v50 =	vsel vm5, $0x1, v7;
	vm6 =	vge.s32 v18, v15  }
0xbf: {  	v51 =	vld [tilespmem:s11+$0x440];
	v21 =	vadd.s32 v50, v21;
	v52 =	vsel vm6, $0x1, v7;
	vm7 =	vge.s32 v20, v15  }
0xc0: {  	v53 =	vld [tilespmem:s11+$0x450];
	vm1 =	vge.s32 v23, v15;
	v21 =	vadd.s32 v52, v21;
	v54 =	vsel vm7, $0x1, v7  }
0xc1: {  	v55 =	vld [tilespmem:s11+$0x460];
	vm8 =	vge.s32 v45, v15;
	v23 =	vsel vm1, $0x1, v7;
	v21 =	vadd.s32 v54, v21  }
0xc2: {  	v57 =	vld [tilespmem:s11+$0x470];
	vm9 =	vge.s32 v47, v15;
	v56 =	vsel vm8, $0x1, v7;
	v21 =	vadd.s32 v23, v21  }
0xc3: {  	vm10 =	vge.s32 v49, v15;
	v58 =	vsel vm9, $0x1, v7;
	v21 =	vadd.s32 v56, v21  }
0xc4: {  	vm11 =	vge.s32 v51, v15;
	v60 =	vsel vm10, $0x1, v7;
	v59 =	vadd.s32 v58, v21  }
0xc5: {  	vm12 =	vge.s32 v53, v15;
	v18 =	vsel vm11, $0x1, v7;
	v16 =	vadd.s32 v60, v59  }
0xc6: {  	vm13 =	vge.s32 v55, v15;
	v61 =	vsel vm12, $0x1, v7;
	v16 =	vadd.s32 v18, v16  }
0xc7: {  	vm14 =	vge.s32 v57, v15;
	v62 =	vsel vm13, $0x1, v7;
	v16 =	vadd.s32 v61, v16  }
0xc8: {  	v63 =	vsel vm14, $0x1, v7;
	v15 =	vadd.s32 v62, v16  }
0xc9: {  	v15 =	vadd.s32 v63, v15  }
0xca: {  	v16 =	vperm.xlane v15, v5;
	_ =	sdelay $0x1  }
0xcb: {  	v15 =	vadd.s32 v15, v16  }
0xcc: {  	v16 =	vperm.xlane v15, v2;
	_ =	sdelay $0x1  }
0xcd: {  	v15 =	vadd.s32 v16, v15  }
0xce: {  	v16 =	vperm.xlane v15, v3  }
0xcf: {  	s10 =	sadd.s32 $0x1, s10  }
0xd0: {  	p0 =	sne.s32 s10, $0x20;
	v15 =	vadd.s32 v16, v15  }
.Ltmp2:
0xd1: {  	v16 =	vperm.xlane v15, v4;
	(pc) =	sbr.rel @p0 .LBB2_3-.Ltmp2, $4  }
0xd2: {  	_ = 	snop  }
0xd3: {  	v15 =	vadd.s32 v16, v15  }
0xd4: {  	vm15 =	vgt.s32 v15, $0x132  }
0xd5: {  	v13 =	vsel vm15, v14, v13  }
0xd6: {  	s10 =	simm.s32 $0x0  }
0xd7: {  	v14 =	vld [tilespmem:s10+$0x470]  }
0xd8: {  	v21 =	vld [tilespmem:s10+$0x460]  }
0xd9: {  	v19 =	vld [tilespmem:s10+$0x450]  }
0xda: {  	v18 =	vld [tilespmem:s10+$0x440]  }
0xdb: {  	v23 =	vld [tilespmem:s10+$0x430]  }
0xdc: {  	v13 =	vxor.u32 $0x80000000, v13;
	v22 =	vld [tilespmem:s10+$0x420]  }
0xdd: {  	v15 =	vimm.s32 $0x0;
	v17 =	vimm.f32 $0.0e+00;
	v16 =	vimm.f32 $-Inf;
	s11 =	simm.s32 $0x200;
	v20 =	vld [tilespmem:s10+$0x410]  }
.LBB2_7:
0xde: {  	p0 =	sne.s32 s11, $0xE00;
	v24 =	vld [tilespmem:s10+$0x400];
	vm0 =	veq.s32 v14, v13  }
0xdf: {  	vm3 =	vgt.s32 v21, v13;
	vm2 =	veq.s32 v21, v13;
	vm1 =	vgt.s32 v14, v13;
	v25 =	vld [tilespmem:s10+$0x0]  }
0xe0: {  	vm5 =	vgt.s32 v19, v13;
	vm4 =	veq.s32 v19, v13;
	vm6 =	veq.s32 v18, v13  }
0xe1: {  	vm7 =	vgt.s32 v18, v13;
	vm9 =	vgt.s32 v23, v13;
	vm8 =	veq.s32 v23, v13;
	v14 =	vld [tilespmem:s10+$0x10]  }
0xe2: {  	vm12 =	vgt.s32 v22, v13;
	vm13 =	veq.s32 v22, v13;
	vm11 =	veq.s32 v20, v13  }
0xe3: {  	vm15 =	vgt.s32 v20, v13;
	vm10 =	vgt.s32 v24, v13;
	vm14 =	veq.s32 v24, v13;
	v18 =	vld [tilespmem:s10+$0x20]  }
0xe4: {  	v24 =	vsel vm1, $0x1, v7;
	v19 =	vnsel vm10, $0x0, v25;
	v20 =	vmax.f32 v16, v25  }
0xe5: {  	v17 =	vadd.f32 v19, v17;
	v16 =	vsel vm14, v20, v16;
	v19 =	vld [tilespmem:s10+$0x30];
	v20 =	vsel vm3, $0x1, v7  }
0xe6: {  	v22 =	vsel vm5, $0x1, v7;
	v21 =	vnsel vm15, $0x0, v14;
	v14 =	vmax.f32 v16, v14  }
0xe7: {  	v23 =	vsel vm7, $0x1, v7;
	v17 =	vadd.f32 v21, v17;
	v14 =	vsel vm11, v14, v16;
	v16 =	vld [tilespmem:s10+$0x40]  }
0xe8: {  	v25 =	vsel vm9, $0x1, v7;
	v21 =	vnsel vm12, $0x0, v18;
	v18 =	vmax.f32 v14, v18  }
0xe9: {  	v26 =	vsel vm12, $0x1, v7;
	v17 =	vadd.f32 v21, v17;
	v14 =	vsel vm13, v18, v14;
	v18 =	vld [tilespmem:s10+$0x50]  }
0xea: {  	v21 =	vsel vm15, $0x1, v7;
	v27 =	vnsel vm9, $0x0, v19;
	v19 =	vmax.f32 v14, v19  }
0xeb: {  	v28 =	vsel vm10, $0x1, v7;
	v17 =	vadd.f32 v27, v17;
	v19 =	vsel vm8, v19, v14;
	v27 =	vld [tilespmem:s10+$0x60]  }
0xec: {  	v15 =	vadd.s32 v28, v15;
	v28 =	vnsel vm7, $0x0, v16;
	v16 =	vmax.f32 v19, v16;
	v29 =	vld [tilespmem:s10+$0x70];
	s10 =	sshra.s32 s11, $0x2  }
0xed: {  	v15 =	vadd.s32 v21, v15;
	v14 =	vld [tilespmem:s10+$0x470];
	v17 =	vadd.f32 v28, v17;
	v16 =	vsel vm6, v16, v19  }
0xee: {  	v15 =	vadd.s32 v26, v15;
	v21 =	vld [tilespmem:s10+$0x460];
	v26 =	vnsel vm5, $0x0, v18;
	v18 =	vmax.f32 v16, v18  }
.Ltmp3:
0xef: {  	v15 =	vadd.s32 v25, v15;
	v19 =	vld [tilespmem:s10+$0x450];
	v17 =	vadd.f32 v26, v17;
	v16 =	vsel vm4, v18, v16;
	(pc) =	sbr.rel @p0 .LBB2_7-.Ltmp3, $4  }
0xf0: {  	v15 =	vadd.s32 v23, v15;
	v18 =	vld [tilespmem:s10+$0x440];
	v25 =	vnsel vm3, $0x0, v27;
	v26 =	vmax.f32 v16, v27  }
0xf1: {  	v15 =	vadd.s32 v22, v15;
	v23 =	vld [tilespmem:s10+$0x430];
	v17 =	vadd.f32 v25, v17;
	v16 =	vsel vm2, v26, v16  }
0xf2: {  	v15 =	vadd.s32 v20, v15;
	v25 =	vnsel vm1, $0x0, v29;
	v22 =	vld [tilespmem:s10+$0x420];
	v26 =	vmax.f32 v16, v29  }
0xf3: {  	s11 =	sadd.s32 $0x200, s11;
	v15 =	vadd.s32 v24, v15;
	v20 =	vld [tilespmem:s10+$0x410];
	v17 =	vadd.f32 v25, v17;
	v16 =	vsel vm0, v26, v16  }
0xf4: {  	v24 =	vld [tilespmem:s10+$0x400]  }
0xf5: {  	v25 =	vld [tilespmem:s10+$0x0];
	vm2 =	vgt.s32 v21, v13  }
0xf6: {  	vm0 =	veq.s32 v21, v13;
	vm1 =	vgt.s32 v14, v13;
	vm5 =	vgt.s32 v19, v13  }
0xf7: {  	vm3 =	veq.s32 v19, v13;
	v30 =	vld [tilespmem:s10+$0x10];
	vm4 =	veq.s32 v18, v13;
	vm6 =	vgt.s32 v18, v13  }
0xf8: {  	v35 =	vsel vm1, $0x1, v7;
	v37 =	vsel vm2, $0x1, v7;
	v39 =	vsel vm5, $0x1, v7  }
0xf9: {  	v31 =	vld [tilespmem:s10+$0x20];
	vm9 =	vgt.s32 v23, v13;
	vm8 =	veq.s32 v23, v13;
	vm12 =	vgt.s32 v24, v13  }
0xfa: {  	v34 =	vld [tilespmem:s10+$0x30];
	v41 =	vsel vm6, $0x1, v7;
	vm7 =	vgt.s32 v22, v13;
	v32 =	vnsel vm12, $0x0, v25  }
0xfb: {  	vm11 =	veq.s32 v22, v13;
	vm14 =	vgt.s32 v20, v13;
	v17 =	vadd.f32 v32, v17  }
0xfc: {  	v43 =	vsel vm9, $0x1, v7;
	vm10 =	veq.s32 v20, v13;
	v36 =	vnsel vm14, $0x0, v30  }
0xfd: {  	v38 =	vld [tilespmem:s10+$0x40];
	vm13 =	veq.s32 v24, v13;
	v33 =	vmax.f32 v16, v25;
	v17 =	vadd.f32 v36, v17  }
0xfe: {  	v47 =	vsel vm7, $0x1, v7;
	v40 =	vnsel vm7, $0x0, v31;
	v16 =	vsel vm13, v33, v16  }
0xff: {  	v42 =	vld [tilespmem:s10+$0x50];
	v26 =	vnsel vm9, $0x0, v34;
	v19 =	vmax.f32 v16, v30;
	v17 =	vadd.f32 v40, v17  }
0x100: {  	v45 =	vsel vm14, $0x1, v7;
	v27 =	vsel vm12, $0x1, v7;
	v16 =	vsel vm10, v19, v16  }
0x101: {  	v44 =	vld [tilespmem:s10+$0x60];
	v15 =	vadd.s32 v27, v15;
	v18 =	vmax.f32 v16, v31;
	v17 =	vadd.f32 v26, v17  }
0x102: {  	v46 =	vnsel vm6, $0x0, v38;
	v15 =	vadd.s32 v45, v15;
	v16 =	vsel vm11, v18, v16  }
0x103: {  	v48 =	vld [tilespmem:s10+$0x70];
	v15 =	vadd.s32 v47, v15;
	v20 =	vmax.f32 v16, v34;
	v17 =	vadd.f32 v46, v17  }
0x104: {  	v49 =	vnsel vm5, $0x0, v42;
	v15 =	vadd.s32 v43, v15;
	v16 =	vsel vm8, v20, v16  }
0x105: {  	v15 =	vadd.s32 v41, v15;
	v19 =	vmax.f32 v16, v38;
	v17 =	vadd.f32 v49, v17  }
0x106: {  	v50 =	vnsel vm2, $0x0, v44;
	v15 =	vadd.s32 v39, v15;
	v16 =	vsel vm4, v19, v16  }
0x107: {  	v15 =	vadd.s32 v37, v15;
	v18 =	vmax.f32 v16, v42;
	v17 =	vadd.f32 v50, v17  }
0x108: {  	v51 =	vnsel vm1, $0x0, v48;
	v15 =	vadd.s32 v35, v15;
	v16 =	vsel vm3, v18, v16  }
0x109: {  	v53 =	vperm.xlane v15, v5;
	v18 =	vmax.f32 v16, v44;
	v17 =	vadd.f32 v51, v17  }
0x10a: {  	vm15 =	veq.s32 v14, v13;
	v16 =	vsel vm0, v18, v16  }
0x10b: {  	v14 =	vadd.s32 v15, v53;
	v52 =	vmax.f32 v16, v48;
	v54 =	vperm.xlane v17, v5  }
0x10c: {  	v15 =	vperm.xlane v14, v8;
	v13 =	vsel vm15, v52, v16  }
0x10d: {  	v55 =	vperm.xlane v13, v5;
	v16 =	vadd.f32 v54, v17  }
0x10e: {  	v14 =	vadd.s32 v15, v14  }
0x10f: {  	v58 =	vperm.xlane v14, v9;
	v13 =	vmax.f32 v13, v55;
	v57 =	vperm.xlane v16, v8  }
0x110: {  	v56 =	vperm.xlane v13, v8  }
0x111: {  	v14 =	vadd.s32 v58, v14;
	v15 =	vadd.f32 v57, v16  }
0x112: {  	v60 =	vperm.xlane v14, v10;
	v13 =	vmax.f32 v13, v56  }
0x113: {  	v59 =	vperm.xlane v13, v9;
	v61 =	vperm.xlane v15, v9;
	_ =	sdelay $0x1  }
0x114: {  	v14 =	vadd.s32 v14, v60;
	v13 =	vmax.f32 v13, v59;
	v15 =	vadd.f32 v61, v15  }
0x115: {  	v14 =	vsub.s32 $0x133, v14;
	v16 =	vperm.xlane v13, v10  }
0x116: {  	v14 =	vcvt.s32.f32 v14;
	v62 =	vperm.xlane v15, v10  }
0x117: {  	v13 =	vmax.f32 v13, v16  }
0x118: {  	v13 =	vmul.f32 v14, v13;
	v15 =	vadd.f32 v62, v15;
	_ =	sdelay $0x1  }
0x119: {  	v11 =	vadd.f32 v12, v11;
	v63 =	vadd.f32 v15, v13;
	_ =	sdelay $0x1  }
0x11a: {  	v11 =	vmul.f32 v11, v0;
	v12 =	vmul.f32 v63, v1;
	_ =	sdelay $0x1  }
0x11b: {  	s9 =	sadd.s32 $0x1, s9;
	v11 =	vadd.f32 v12, v11  }
0x11c: {  	p0 =	sne.s32 s9, s5  }
.Ltmp4:
0x11d: {  	[tilespmem:$0x0] =	vst v11;
	(pc) =	sbr.rel @p0 .LBB2_2-.Ltmp4, $4  }
0x11e: {  	[hbm4b:s1+s6] =	stream.linear.scatter [tilespmem:s6], [sflag:$0x1], $0x10, $0x38;
	[tilespmem:$0x800] =	vst v63  }
0x11f: {  	_ =	swait.ge [sflag:s7], $0x10  }
0x120: {  	[sflag:s7] =	ssyncset.done $0x0  }
0x121: {  	[sflag:s7] =	ssyncadd.s32 $0xFFFFFFF0  }
.LBB2_9:
0x122: {  	_ =	sfence.sel $0x180000  }
0x123: {  	[bflag:$0x0] =	sbarrier.arrive $0xFFFF  }
0x124: {  	p0 =	sne.s32 s2, $0x0;
	_ =	strace $0x90000047  }
0x125: {  	s0 =	sadd.s32 @!p0 $0x100000, s0;
	[bflag:$0x2] =	sbarrier.arrive $0xFFFF  }
0x126: {  	[sflag:s0] =	ssyncadd.tile.s32 @!p0 $0x1;
	_ =	shalt  }
.Lfunc_end2:
_tile_overlayer_lowered:
.L_overlay_start_2:
0x127: {  	(tag) =	ssettag $0x2  }
0x128: {  	s0 =	rddreg [dreg:$0x0];
	s2 =	stileid.u32  }
0x129: {  	s1 =	rddreg [dreg:$0x1];
	p0 =	sne.s32 s2, $0x0  }
0x12a: {  	s3 =	rddreg [dreg:$0x2];
	[bflag:$0x3] =	sbarrier.arrive $0xFFFF;
	s2 =	simm.s32 @!p0 $0x1C01  }
0x12b: {  	[timem:s3], [sflag:s2] =	dma.local @!p0 [hbm:s0], s1  }
0x12c: {  	s0 =	simm.s32 @!p0 $0x1  }
0x12d: {  	_ =	swait.ge @!p0 [sflag:s0], s1  }
0x12e: {  	s1 =	ssub.s32 @!p0 $0x0, s1;
	[sflag:s0] =	ssyncset.done @!p0 $0x0  }
0x12f: {  	[sflag:s0] =	ssyncadd.s32 @!p0 s1  }
0x130: {  	[bflag:$0x3] =	sbarrier.arrive $0xFFFF  }
0x131: {  	_ =	shalt  }

</sc_bundles>
